<compile_context>
chip_gen: v7x
topology: tpu7x:2x2x1
jax: 0.10.2.dev20260603
libtpu: 0.0.44.dev20260713+nightly
codegen_flags: <defaults>
</compile_context>

<pallas_src>
import functools

import jax
import jax.numpy as jnp
from jax import lax
from jax.experimental import pallas as pl
from jax.experimental.pallas import tpu as pltpu
from jax.experimental.pallas import tpu_sc as plsc

MEMN = 100000
KD = 512
VD = 313
B = 512
ROWW = KD + VD + 2
COLOR_THRES = 0.3

BLK = 1000
GRID = MEMN // BLK


def _k1_body(qn_ref, key_ref, val_ref, age_ref, mti_ref, noise_ref,
             out_ref, top1_ref, anb_ref,
             rmax_s, rarg_s):
    i = pl.program_id(0)

    @pl.when(i == 0)
    def _():
        rmax_s[...] = jnp.full((B, 1), -jnp.inf, jnp.float32)
        rarg_s[...] = jnp.zeros((B, 1), jnp.int32)

    kb = key_ref[...]
    scores = lax.dot_general(qn_ref[...], kb, (((1,), (1,)), ((), ())),
                             preferred_element_type=jnp.float32,
                             precision=lax.Precision.DEFAULT)
    bmax = jnp.max(scores, axis=1, keepdims=True)
    col = lax.broadcasted_iota(jnp.int32, (B, BLK), 1)
    barg = jnp.min(jnp.where(scores == bmax, col, jnp.int32(2 ** 30)),
                   axis=1, keepdims=True)
    better = bmax > rmax_s[...]
    rarg_s[...] = jnp.where(better, barg + i * BLK, rarg_s[...])
    rmax_s[...] = jnp.where(better, bmax, rmax_s[...])
    top1_ref[...] = rarg_s[...]

    age1 = age_ref[...] + 1.0
    out_ref[...] = jnp.concatenate(
        [kb, val_ref[...], age1, mti_ref[...]], axis=1)
    anb_ref[...] = age1 + noise_ref[...]


def _k1(qn, mem_key, mem_value, age2d, mti2d, noise2d):
    return pl.pallas_call(
        _k1_body,
        grid=(GRID,),
        in_specs=[
            pl.BlockSpec((B, KD), lambda i: (0, 0)),
            pl.BlockSpec((BLK, KD), lambda i: (i, 0)),
            pl.BlockSpec((BLK, VD), lambda i: (i, 0)),
            pl.BlockSpec((BLK, 1), lambda i: (i, 0)),
            pl.BlockSpec((BLK, 1), lambda i: (i, 0)),
            pl.BlockSpec((BLK, 1), lambda i: (i, 0)),
        ],
        out_specs=[
            pl.BlockSpec((BLK, ROWW), lambda i: (i, 0)),
            pl.BlockSpec((B, 1), lambda i: (0, 0)),
            pl.BlockSpec((BLK, 1), lambda i: (i, 0)),
        ],
        out_shape=[
            jax.ShapeDtypeStruct((MEMN, ROWW), jnp.float32),
            jax.ShapeDtypeStruct((B, 1), jnp.int32),
            jax.ShapeDtypeStruct((MEMN, 1), jnp.float32),
        ],
        scratch_shapes=[
            pltpu.VMEM((B, 1), jnp.float32),
            pltpu.VMEM((B, 1), jnp.int32),
        ],
        compiler_params=pltpu.CompilerParams(
            dimension_semantics=("arbitrary",)),
    )(qn, mem_key, mem_value, age2d, mti2d, noise2d)


def _middle(out_base, qn, top1, anb, color_feat, top_index):
    g = jnp.take(out_base, top1, axis=0)
    gkey = g[:, :KD]
    gval = g[:, KD:KD + VD]
    gage1 = g[:, KD + VD]
    gmti = g[:, KD + VD + 1]
    sim = jnp.mean(jnp.abs(gval - color_feat), axis=1)
    match = sim < COLOR_THRES
    uk = gkey + qn
    uk = uk / jnp.maximum(jnp.linalg.norm(uk, axis=1, keepdims=True), 1e-12)

    samet = top1[None, :] == top1[:, None]
    later = lax.broadcasted_iota(jnp.int32, (B, B), 1) > \
        lax.broadcasted_iota(jnp.int32, (B, B), 0)
    dup = jnp.any(samet & later & match[None, :] & match[:, None], axis=1)
    uniq = match & ~dup

    anb_adj = anb.at[top1].add(jnp.where(uniq, -gage1, 0.0))

    mism = ~match
    r = jnp.clip(jnp.cumsum(mism.astype(jnp.int32)) - 1, 0, B - 1)
    order = jnp.argsort(-anb_adj)[:B]
    slot = jnp.take(order, r)
    tgt = jnp.where(match, top1, slot).astype(jnp.int32)

    hit_by_mism = jnp.any((top1[:, None] == tgt[None, :]) & mism[None, :],
                          axis=1)
    survive = jnp.where(mism, True, uniq & ~hit_by_mism)
    js = jnp.argmax(survive)

    zero = jnp.zeros((B, 1), jnp.float32)
    rows_m = jnp.concatenate([uk, gval, zero, gmti[:, None]], axis=1)
    rows_x = jnp.concatenate([qn, color_feat, zero, top_index[:, None]],
                             axis=1)
    rows = jnp.where(match[:, None], rows_m, rows_x)
    rows = jnp.where(survive[:, None], rows, rows[js][None, :])
    tgtf = jnp.where(survive, tgt, tgt[js]).astype(jnp.int32)
    return rows, tgtf


_SC_MESH = plsc.VectorSubcoreMesh(core_axis_name="c", subcore_axis_name="s",
                                  num_cores=2, num_subcores=16)
_NW = 32
_RPT = B // _NW


def _k8_body(out_ref, rows_ref, tgt_ref, idx_v, rows_v, sem):
    wid = lax.axis_index("s") * 2 + lax.axis_index("c")
    base = wid * _RPT
    pltpu.sync_copy(tgt_ref.at[pl.ds(base, _RPT)], idx_v)
    pltpu.sync_copy(rows_ref.at[pl.ds(base, _RPT)], rows_v)
    tv = idx_v[...]
    copies = []
    for j in range(_RPT):
        t = tv[j]
        copies.append(pltpu.async_copy(
            rows_v.at[pl.ds(j, 1)], out_ref.at[pl.ds(t, 1)], sem))
    for c in copies:
        c.wait()


_k8 = pl.kernel(
    _k8_body,
    out_type=(),
    mesh=_SC_MESH,
    scratch_types=[
        pltpu.VMEM((_RPT,), jnp.int32),
        pltpu.VMEM((_RPT, ROWW), jnp.float32),
        pltpu.SemaphoreType.DMA,
    ],
)


def kernel(query, color_feat, top_index, mem_key, mem_value, age,
           mem_top_index, noise):
    age2d = age.reshape(MEMN, 1)
    mti2d = mem_top_index.reshape(MEMN, 1)
    noise2d = noise.reshape(MEMN, 1)

    qn = query / jnp.maximum(
        jnp.linalg.norm(query, axis=1, keepdims=True), 1e-12)
    out_base, top1_2d, anb2d = _k1(qn, mem_key, mem_value,
                                   age2d, mti2d, noise2d)
    top1 = top1_2d[:, 0]
    anb = anb2d[:, 0]

    rows, tgtf = _middle(out_base, qn, top1, anb, color_feat, top_index)

    out_ref = jax.new_ref(out_base)
    _k8(out_ref, rows, tgtf)
    return out_ref[...]

# --- scband reference (transcript-rebuilt; emitter-appended) ---
"""Pipeline reference for scband-memory-net-15298673508749 (READ-ONLY COPY).

The authoritative reference and input builder live on the scoring server;
editing this copy changes nothing except your own understanding.
"""

import jax, jax.numpy as jnp
import numpy as np

MEM = 100000
KDIM = 512
VDIM = 313
B = 512
COLOR_THRES = 0.3
AGE_NOISE = 4.0


def _normalize(x, axis=1):
    n = jnp.linalg.norm(x, axis=axis, keepdims=True)
    return x / jnp.maximum(n, 1e-12)


def setup_inputs(seed: int = 0):
    key = jax.random.key(seed)
    ks = jax.random.split(key, 8)
    query = jax.random.normal(ks[0], (B, KDIM), dtype=jnp.float32)
    color_feat = jax.random.uniform(ks[1], (B, VDIM), dtype=jnp.float32)
    top_index = jax.random.randint(ks[2], (B,), 0, 10000).astype(jnp.float32)
    mem_key = _normalize(jax.random.uniform(ks[3], (MEM, KDIM), dtype=jnp.float32, minval=-0.01, maxval=0.01), axis=1)
    mem_value = jax.random.uniform(ks[4], (MEM, VDIM), dtype=jnp.float32)
    age = jnp.zeros((MEM,), dtype=jnp.float32)
    mem_top_index = -jnp.ones((MEM,), dtype=jnp.float32)
    noise = jax.random.uniform(ks[5], (MEM,), dtype=jnp.float32, minval=-AGE_NOISE, maxval=AGE_NOISE)
    return {"query": query, "color_feat": color_feat, "top_index": top_index,
            "mem_key": mem_key, "mem_value": mem_value, "age": age,
            "mem_top_index": mem_top_index, "noise": noise}


def reference(query, color_feat, top_index, mem_key, mem_value, age, mem_top_index, noise):
    # forward(): q = normalize(features)
    q = _normalize(query, axis=1)
    # memory_update(): cosine score against full key memory, top-1 lookup
    cosine = q @ mem_key.T
    top1 = jnp.argmax(cosine, axis=1)
    top1_val = jnp.take(mem_value, top1, axis=0)
    sim = jnp.mean(jnp.abs(top1_val - color_feat), axis=1)
    match = sim < COLOR_THRES
    age1 = age + 1.0
    # matched: blend query into the hit key slot, reset age
    upd_key = _normalize(jnp.take(mem_key, top1, axis=0) + q, axis=1)
    idx_m = jnp.where(match, top1, MEM)  # MEM = out-of-bounds -> dropped
    new_key = mem_key.at[idx_m].set(upd_key, mode="drop")
    new_age = age1.at[idx_m].set(0.0, mode="drop")
    # mismatched: overwrite the oldest (age + noise) slots, i-th mismatch -> i-th oldest
    mism = jnp.logical_not(match)
    age_noise = new_age + noise
    order = jnp.argsort(-age_noise)
    rank = jnp.clip(jnp.cumsum(mism.astype(jnp.int32)) - 1, 0, B - 1)
    slot = jnp.where(mism, jnp.take(order, rank), MEM)
    new_key = new_key.at[slot].set(q, mode="drop")
    new_value = mem_value.at[slot].set(color_feat, mode="drop")
    new_top_index = mem_top_index.at[slot].set(top_index, mode="drop")
    new_age = new_age.at[slot].set(0.0, mode="drop")
    out = jnp.concatenate([new_key, new_value, new_age[:, None], new_top_index[:, None]], axis=1)
    return out

if __name__ == "__main__":
    import jax
    _d = setup_inputs()
    print(jax.jit(kernel)(*tuple(_d.values())))

</pallas_src>

<mosaic_0001>
#map = affine_map<(d0, d1) -> (0, 0)>
#map1 = affine_map<(d0, d1) -> (0)>
module attributes {stable_mosaic.version = 14 : i64} {
  func.func @new_body(%arg0: i32, %arg1: i32, %arg2: memref<100000x827xf32, #tpu.memory_space<hbm>>, %arg3: memref<512x827xf32, #tpu.memory_space<hbm>>, %arg4: memref<512xi32, #tpu.memory_space<hbm>>, %arg5: memref<100000x827xf32, #tpu.memory_space<hbm>>, %arg6: memref<16xi32, #tpu.memory_space<vmem>>, %arg7: memref<16x827xf32, #tpu.memory_space<vmem>>, %arg8: memref<!tpu.dma_semaphore, #tpu.memory_space<semaphore_mem>>) attributes {dimension_semantics = [#tpu.dimension_semantics<core_parallel>, #tpu.dimension_semantics<subcore_parallel>], iteration_bounds = array<i64: 2, 16>, scalar_prefetch = 0 : i64, scratch_operands = 3 : i64, tpu.core_type = #tpu.core_type<sc_vector_subcore>, window_params = [{transform_indices = #map}, {transform_indices = #map}, {transform_indices = #map1}, {transform_indices = #map}]} {
    %mul3A = arith.constant 2 : i32
    %mul3A_0 = arith.muli %arg1, %mul3A : i32
    %add3A = arith.addi %mul3A_0, %arg0 : i32
    %mul3A_1 = arith.constant 16 : i32
    %mul3A_2 = arith.muli %add3A, %mul3A_1 : i32
    "tpu.region"() ({
      %run_scoped3A = tpu.sem_alloc : memref<!tpu.dma_semaphore, #tpu.memory_space<semaphore_mem>>
      %dma_start3A_353 = tpu.memref_slice %arg4[%mul3A_2] : memref<512xi32, #tpu.memory_space<hbm>> -> memref<16xi32, #tpu.memory_space<hbm>>
      %dma_start3A_354 = tpu.memref_slice %arg4[%mul3A_2] : memref<512xi32, #tpu.memory_space<hbm>> -> memref<16xi32, #tpu.memory_space<hbm>>
      tpu.enqueue_dma source(%dma_start3A_354 : memref<16xi32, #tpu.memory_space<hbm>>) target(%arg6 : memref<16xi32, #tpu.memory_space<vmem>>) target_semaphore(%run_scoped3A : memref<!tpu.dma_semaphore, #tpu.memory_space<semaphore_mem>>)
      %dma_wait3A_355 = tpu.memref_slice %arg4[%mul3A_2] : memref<512xi32, #tpu.memory_space<hbm>> -> memref<16xi32, #tpu.memory_space<hbm>>
      %dma_wait3A_356 = tpu.memref_slice %arg4[%mul3A_2] : memref<512xi32, #tpu.memory_space<hbm>> -> memref<16xi32, #tpu.memory_space<hbm>>
      tpu.wait_dma2 semaphore(%run_scoped3A : memref<!tpu.dma_semaphore, #tpu.memory_space<semaphore_mem>>) src(%dma_wait3A_356 : memref<16xi32, #tpu.memory_space<hbm>>) dst(%arg6 : memref<16xi32, #tpu.memory_space<vmem>>)
      tpu.yield
    }) : () -> ()
    "tpu.region"() ({
      %run_scoped3A = tpu.sem_alloc : memref<!tpu.dma_semaphore, #tpu.memory_space<semaphore_mem>>
      %dma_start3A_353 = arith.constant 0 : i32
      %dma_start3A_354 = tpu.memref_slice %arg3[%mul3A_2, %dma_start3A_353] : memref<512x827xf32, #tpu.memory_space<hbm>> -> memref<16x827xf32, #tpu.memory_space<hbm>>
      %dma_start3A_355 = arith.constant 0 : i32
      %dma_start3A_356 = tpu.memref_slice %arg3[%mul3A_2, %dma_start3A_355] : memref<512x827xf32, #tpu.memory_space<hbm>> -> memref<16x827xf32, #tpu.memory_space<hbm>>
      tpu.enqueue_dma source(%dma_start3A_356 : memref<16x827xf32, #tpu.memory_space<hbm>>) target(%arg7 : memref<16x827xf32, #tpu.memory_space<vmem>>) target_semaphore(%run_scoped3A : memref<!tpu.dma_semaphore, #tpu.memory_space<semaphore_mem>>)
      %dma_wait3A_357 = arith.constant 0 : i32
      %dma_wait3A_358 = tpu.memref_slice %arg3[%mul3A_2, %dma_wait3A_357] : memref<512x827xf32, #tpu.memory_space<hbm>> -> memref<16x827xf32, #tpu.memory_space<hbm>>
      %dma_wait3A_359 = arith.constant 0 : i32
      %dma_wait3A_360 = tpu.memref_slice %arg3[%mul3A_2, %dma_wait3A_359] : memref<512x827xf32, #tpu.memory_space<hbm>> -> memref<16x827xf32, #tpu.memory_space<hbm>>
      tpu.wait_dma2 semaphore(%run_scoped3A : memref<!tpu.dma_semaphore, #tpu.memory_space<semaphore_mem>>) src(%dma_wait3A_360 : memref<16x827xf32, #tpu.memory_space<hbm>>) dst(%arg7 : memref<16x827xf32, #tpu.memory_space<vmem>>)
      tpu.yield
    }) : () -> ()
    %get3A = arith.constant 0 : index
    %get3A_3 = tpu.vector_load %arg6[%get3A] {strides = array<i32>} : memref<16xi32, #tpu.memory_space<vmem>>, vector<16xi32>,
    %get3A_4 = vector.shape_cast %get3A_3 : vector<16xi32> to vector<16xi32>
    %slice3A = vector.extract_strided_slice %get3A_4 {offsets = [0], sizes = [1], strides = [1]} : vector<16xi32> to vector<1xi32>
    %squeeze3A = vector.extract %slice3A[0] : i32 from vector<1xi32>
    %dma_start3A = arith.constant 0 : i32
    %dma_start3A_5 = arith.constant 0 : i32
    %dma_start3A_6 = tpu.memref_slice %arg7[%dma_start3A, %dma_start3A_5] : memref<16x827xf32, #tpu.memory_space<vmem>> -> memref<1x827xf32, #tpu.memory_space<vmem>>
    %dma_start3A_7 = arith.constant 0 : i32
    %dma_start3A_8 = tpu.memref_slice %arg2[%squeeze3A, %dma_start3A_7] : memref<100000x827xf32, #tpu.memory_space<hbm>> -> memref<1x827xf32, #tpu.memory_space<hbm>>
    %dma_start3A_9 = arith.constant 0 : i32
    %dma_start3A_10 = tpu.memref_slice %arg2[%squeeze3A, %dma_start3A_9] : memref<100000x827xf32, #tpu.memory_space<hbm>> -> memref<1x827xf32, #tpu.memory_space<hbm>>
    %dma_start3A_11 = arith.constant 0 : i32
    %dma_start3A_12 = arith.constant 0 : i32
    %dma_start3A_13 = tpu.memref_slice %arg7[%dma_start3A_11, %dma_start3A_12] : memref<16x827xf32, #tpu.memory_space<vmem>> -> memref<1x827xf32, #tpu.memory_space<vmem>>
    tpu.enqueue_dma source(%dma_start3A_13 : memref<1x827xf32, #tpu.memory_space<vmem>>) target(%dma_start3A_10 : memref<1x827xf32, #tpu.memory_space<hbm>>) target_semaphore(%arg8 : memref<!tpu.dma_semaphore, #tpu.memory_space<semaphore_mem>>)
    %slice3A_14 = vector.extract_strided_slice %get3A_4 {offsets = [1], sizes = [1], strides = [1]} : vector<16xi32> to vector<1xi32>
    %squeeze3A_15 = vector.extract %slice3A_14[0] : i32 from vector<1xi32>
    %dma_start3A_16 = arith.constant 1 : i32
    %dma_start3A_17 = arith.constant 0 : i32
    %dma_start3A_18 = tpu.memref_slice %arg7[%dma_start3A_16, %dma_start3A_17] : memref<16x827xf32, #tpu.memory_space<vmem>> -> memref<1x827xf32, #tpu.memory_space<vmem>>
    %dma_start3A_19 = arith.constant 0 : i32
    %dma_start3A_20 = tpu.memref_slice %arg2[%squeeze3A_15, %dma_start3A_19] : memref<100000x827xf32, #tpu.memory_space<hbm>> -> memref<1x827xf32, #tpu.memory_space<hbm>>
    %dma_start3A_21 = arith.constant 0 : i32
    %dma_start3A_22 = tpu.memref_slice %arg2[%squeeze3A_15, %dma_start3A_21] : memref<100000x827xf32, #tpu.memory_space<hbm>> -> memref<1x827xf32, #tpu.memory_space<hbm>>
    %dma_start3A_23 = arith.constant 1 : i32
    %dma_start3A_24 = arith.constant 0 : i32
    %dma_start3A_25 = tpu.memref_slice %arg7[%dma_start3A_23, %dma_start3A_24] : memref<16x827xf32, #tpu.memory_space<vmem>> -> memref<1x827xf32, #tpu.memory_space<vmem>>
    tpu.enqueue_dma source(%dma_start3A_25 : memref<1x827xf32, #tpu.memory_space<vmem>>) target(%dma_start3A_22 : memref<1x827xf32, #tpu.memory_space<hbm>>) target_semaphore(%arg8 : memref<!tpu.dma_semaphore, #tpu.memory_space<semaphore_mem>>)
    %slice3A_26 = vector.extract_strided_slice %get3A_4 {offsets = [2], sizes = [1], strides = [1]} : vector<16xi32> to vector<1xi32>
    %squeeze3A_27 = vector.extract %slice3A_26[0] : i32 from vector<1xi32>
    %dma_start3A_28 = arith.constant 2 : i32
    %dma_start3A_29 = arith.constant 0 : i32
    %dma_start3A_30 = tpu.memref_slice %arg7[%dma_start3A_28, %dma_start3A_29] : memref<16x827xf32, #tpu.memory_space<vmem>> -> memref<1x827xf32, #tpu.memory_space<vmem>>
    %dma_start3A_31 = arith.constant 0 : i32
    %dma_start3A_32 = tpu.memref_slice %arg2[%squeeze3A_27, %dma_start3A_31] : memref<100000x827xf32, #tpu.memory_space<hbm>> -> memref<1x827xf32, #tpu.memory_space<hbm>>
    %dma_start3A_33 = arith.constant 0 : i32
    %dma_start3A_34 = tpu.memref_slice %arg2[%squeeze3A_27, %dma_start3A_33] : memref<100000x827xf32, #tpu.memory_space<hbm>> -> memref<1x827xf32, #tpu.memory_space<hbm>>
    %dma_start3A_35 = arith.constant 2 : i32
    %dma_start3A_36 = arith.constant 0 : i32
    %dma_start3A_37 = tpu.memref_slice %arg7[%dma_start3A_35, %dma_start3A_36] : memref<16x827xf32, #tpu.memory_space<vmem>> -> memref<1x827xf32, #tpu.memory_space<vmem>>
    tpu.enqueue_dma source(%dma_start3A_37 : memref<1x827xf32, #tpu.memory_space<vmem>>) target(%dma_start3A_34 : memref<1x827xf32, #tpu.memory_space<hbm>>) target_semaphore(%arg8 : memref<!tpu.dma_semaphore, #tpu.memory_space<semaphore_mem>>)
    %slice3A_38 = vector.extract_strided_slice %get3A_4 {offsets = [3], sizes = [1], strides = [1]} : vector<16xi32> to vector<1xi32>
    %squeeze3A_39 = vector.extract %slice3A_38[0] : i32 from vector<1xi32>
    %dma_start3A_40 = arith.constant 3 : i32
    %dma_start3A_41 = arith.constant 0 : i32
    %dma_start3A_42 = tpu.memref_slice %arg7[%dma_start3A_40, %dma_start3A_41] : memref<16x827xf32, #tpu.memory_space<vmem>> -> memref<1x827xf32, #tpu.memory_space<vmem>>
    %dma_start3A_43 = arith.constant 0 : i32
    %dma_start3A_44 = tpu.memref_slice %arg2[%squeeze3A_39, %dma_start3A_43] : memref<100000x827xf32, #tpu.memory_space<hbm>> -> memref<1x827xf32, #tpu.memory_space<hbm>>
    %dma_start3A_45 = arith.constant 0 : i32
    %dma_start3A_46 = tpu.memref_slice %arg2[%squeeze3A_39, %dma_start3A_45] : memref<100000x827xf32, #tpu.memory_space<hbm>> -> memref<1x827xf32, #tpu.memory_space<hbm>>
    %dma_start3A_47 = arith.constant 3 : i32
    %dma_start3A_48 = arith.constant 0 : i32
    %dma_start3A_49 = tpu.memref_slice %arg7[%dma_start3A_47, %dma_start3A_48] : memref<16x827xf32, #tpu.memory_space<vmem>> -> memref<1x827xf32, #tpu.memory_space<vmem>>
    tpu.enqueue_dma source(%dma_start3A_49 : memref<1x827xf32, #tpu.memory_space<vmem>>) target(%dma_start3A_46 : memref<1x827xf32, #tpu.memory_space<hbm>>) target_semaphore(%arg8 : memref<!tpu.dma_semaphore, #tpu.memory_space<semaphore_mem>>)
    %slice3A_50 = vector.extract_strided_slice %get3A_4 {offsets = [4], sizes = [1], strides = [1]} : vector<16xi32> to vector<1xi32>
    %squeeze3A_51 = vector.extract %slice3A_50[0] : i32 from vector<1xi32>
    %dma_start3A_52 = arith.constant 4 : i32
    %dma_start3A_53 = arith.constant 0 : i32
    %dma_start3A_54 = tpu.memref_slice %arg7[%dma_start3A_52, %dma_start3A_53] : memref<16x827xf32, #tpu.memory_space<vmem>> -> memref<1x827xf32, #tpu.memory_space<vmem>>
    %dma_start3A_55 = arith.constant 0 : i32
    %dma_start3A_56 = tpu.memref_slice %arg2[%squeeze3A_51, %dma_start3A_55] : memref<100000x827xf32, #tpu.memory_space<hbm>> -> memref<1x827xf32, #tpu.memory_space<hbm>>
    %dma_start3A_57 = arith.constant 0 : i32
    %dma_start3A_58 = tpu.memref_slice %arg2[%squeeze3A_51, %dma_start3A_57] : memref<100000x827xf32, #tpu.memory_space<hbm>> -> memref<1x827xf32, #tpu.memory_space<hbm>>
    %dma_start3A_59 = arith.constant 4 : i32
    %dma_start3A_60 = arith.constant 0 : i32
    %dma_start3A_61 = tpu.memref_slice %arg7[%dma_start3A_59, %dma_start3A_60] : memref<16x827xf32, #tpu.memory_space<vmem>> -> memref<1x827xf32, #tpu.memory_space<vmem>>
    tpu.enqueue_dma source(%dma_start3A_61 : memref<1x827xf32, #tpu.memory_space<vmem>>) target(%dma_start3A_58 : memref<1x827xf32, #tpu.memory_space<hbm>>) target_semaphore(%arg8 : memref<!tpu.dma_semaphore, #tpu.memory_space<semaphore_mem>>)
    %slice3A_62 = vector.extract_strided_slice %get3A_4 {offsets = [5], sizes = [1], strides = [1]} : vector<16xi32> to vector<1xi32>
    %squeeze3A_63 = vector.extract %slice3A_62[0] : i32 from vector<1xi32>
    %dma_start3A_64 = arith.constant 5 : i32
    %dma_start3A_65 = arith.constant 0 : i32
    %dma_start3A_66 = tpu.memref_slice %arg7[%dma_start3A_64, %dma_start3A_65] : memref<16x827xf32, #tpu.memory_space<vmem>> -> memref<1x827xf32, #tpu.memory_space<vmem>>
    %dma_start3A_67 = arith.constant 0 : i32
    %dma_start3A_68 = tpu.memref_slice %arg2[%squeeze3A_63, %dma_start3A_67] : memref<100000x827xf32, #tpu.memory_space<hbm>> -> memref<1x827xf32, #tpu.memory_space<hbm>>
    %dma_start3A_69 = arith.constant 0 : i32
    %dma_start3A_70 = tpu.memref_slice %arg2[%squeeze3A_63, %dma_start3A_69] : memref<100000x827xf32, #tpu.memory_space<hbm>> -> memref<1x827xf32, #tpu.memory_space<hbm>>
    %dma_start3A_71 = arith.constant 5 : i32
    %dma_start3A_72 = arith.constant 0 : i32
    %dma_start3A_73 = tpu.memref_slice %arg7[%dma_start3A_71, %dma_start3A_72] : memref<16x827xf32, #tpu.memory_space<vmem>> -> memref<1x827xf32, #tpu.memory_space<vmem>>
    tpu.enqueue_dma source(%dma_start3A_73 : memref<1x827xf32, #tpu.memory_space<vmem>>) target(%dma_start3A_70 : memref<1x827xf32, #tpu.memory_space<hbm>>) target_semaphore(%arg8 : memref<!tpu.dma_semaphore, #tpu.memory_space<semaphore_mem>>)
    %slice3A_74 = vector.extract_strided_slice %get3A_4 {offsets = [6], sizes = [1], strides = [1]} : vector<16xi32> to vector<1xi32>
    %squeeze3A_75 = vector.extract %slice3A_74[0] : i32 from vector<1xi32>
    %dma_start3A_76 = arith.constant 6 : i32
    %dma_start3A_77 = arith.constant 0 : i32
    %dma_start3A_78 = tpu.memref_slice %arg7[%dma_start3A_76, %dma_start3A_77] : memref<16x827xf32, #tpu.memory_space<vmem>> -> memref<1x827xf32, #tpu.memory_space<vmem>>
    %dma_start3A_79 = arith.constant 0 : i32
    %dma_start3A_80 = tpu.memref_slice %arg2[%squeeze3A_75, %dma_start3A_79] : memref<100000x827xf32, #tpu.memory_space<hbm>> -> memref<1x827xf32, #tpu.memory_space<hbm>>
    %dma_start3A_81 = arith.constant 0 : i32
    %dma_start3A_82 = tpu.memref_slice %arg2[%squeeze3A_75, %dma_start3A_81] : memref<100000x827xf32, #tpu.memory_space<hbm>> -> memref<1x827xf32, #tpu.memory_space<hbm>>
    %dma_start3A_83 = arith.constant 6 : i32
    %dma_start3A_84 = arith.constant 0 : i32
    %dma_start3A_85 = tpu.memref_slice %arg7[%dma_start3A_83, %dma_start3A_84] : memref<16x827xf32, #tpu.memory_space<vmem>> -> memref<1x827xf32, #tpu.memory_space<vmem>>
    tpu.enqueue_dma source(%dma_start3A_85 : memref<1x827xf32, #tpu.memory_space<vmem>>) target(%dma_start3A_82 : memref<1x827xf32, #tpu.memory_space<hbm>>) target_semaphore(%arg8 : memref<!tpu.dma_semaphore, #tpu.memory_space<semaphore_mem>>)
    %slice3A_86 = vector.extract_strided_slice %get3A_4 {offsets = [7], sizes = [1], strides = [1]} : vector<16xi32> to vector<1xi32>
    %squeeze3A_87 = vector.extract %slice3A_86[0] : i32 from vector<1xi32>
    %dma_start3A_88 = arith.constant 7 : i32
    %dma_start3A_89 = arith.constant 0 : i32
    %dma_start3A_90 = tpu.memref_slice %arg7[%dma_start3A_88, %dma_start3A_89] : memref<16x827xf32, #tpu.memory_space<vmem>> -> memref<1x827xf32, #tpu.memory_space<vmem>>
    %dma_start3A_91 = arith.constant 0 : i32
    %dma_start3A_92 = tpu.memref_slice %arg2[%squeeze3A_87, %dma_start3A_91] : memref<100000x827xf32, #tpu.memory_space<hbm>> -> memref<1x827xf32, #tpu.memory_space<hbm>>
    %dma_start3A_93 = arith.constant 0 : i32
    %dma_start3A_94 = tpu.memref_slice %arg2[%squeeze3A_87, %dma_start3A_93] : memref<100000x827xf32, #tpu.memory_space<hbm>> -> memref<1x827xf32, #tpu.memory_space<hbm>>
    %dma_start3A_95 = arith.constant 7 : i32
    %dma_start3A_96 = arith.constant 0 : i32
    %dma_start3A_97 = tpu.memref_slice %arg7[%dma_start3A_95, %dma_start3A_96] : memref<16x827xf32, #tpu.memory_space<vmem>> -> memref<1x827xf32, #tpu.memory_space<vmem>>
    tpu.enqueue_dma source(%dma_start3A_97 : memref<1x827xf32, #tpu.memory_space<vmem>>) target(%dma_start3A_94 : memref<1x827xf32, #tpu.memory_space<hbm>>) target_semaphore(%arg8 : memref<!tpu.dma_semaphore, #tpu.memory_space<semaphore_mem>>)
    %slice3A_98 = vector.extract_strided_slice %get3A_4 {offsets = [8], sizes = [1], strides = [1]} : vector<16xi32> to vector<1xi32>
    %squeeze3A_99 = vector.extract %slice3A_98[0] : i32 from vector<1xi32>
    %dma_start3A_100 = arith.constant 8 : i32
    %dma_start3A_101 = arith.constant 0 : i32
    %dma_start3A_102 = tpu.memref_slice %arg7[%dma_start3A_100, %dma_start3A_101] : memref<16x827xf32, #tpu.memory_space<vmem>> -> memref<1x827xf32, #tpu.memory_space<vmem>>
    %dma_start3A_103 = arith.constant 0 : i32
    %dma_start3A_104 = tpu.memref_slice %arg2[%squeeze3A_99, %dma_start3A_103] : memref<100000x827xf32, #tpu.memory_space<hbm>> -> memref<1x827xf32, #tpu.memory_space<hbm>>
    %dma_start3A_105 = arith.constant 0 : i32
    %dma_start3A_106 = tpu.memref_slice %arg2[%squeeze3A_99, %dma_start3A_105] : memref<100000x827xf32, #tpu.memory_space<hbm>> -> memref<1x827xf32, #tpu.memory_space<hbm>>
    %dma_start3A_107 = arith.constant 8 : i32
    %dma_start3A_108 = arith.constant 0 : i32
    %dma_start3A_109 = tpu.memref_slice %arg7[%dma_start3A_107, %dma_start3A_108] : memref<16x827xf32, #tpu.memory_space<vmem>> -> memref<1x827xf32, #tpu.memory_space<vmem>>
    tpu.enqueue_dma source(%dma_start3A_109 : memref<1x827xf32, #tpu.memory_space<vmem>>) target(%dma_start3A_106 : memref<1x827xf32, #tpu.memory_space<hbm>>) target_semaphore(%arg8 : memref<!tpu.dma_semaphore, #tpu.memory_space<semaphore_mem>>)
    %slice3A_110 = vector.extract_strided_slice %get3A_4 {offsets = [9], sizes = [1], strides = [1]} : vector<16xi32> to vector<1xi32>
    %squeeze3A_111 = vector.extract %slice3A_110[0] : i32 from vector<1xi32>
    %dma_start3A_112 = arith.constant 9 : i32
    %dma_start3A_113 = arith.constant 0 : i32
    %dma_start3A_114 = tpu.memref_slice %arg7[%dma_start3A_112, %dma_start3A_113] : memref<16x827xf32, #tpu.memory_space<vmem>> -> memref<1x827xf32, #tpu.memory_space<vmem>>
    %dma_start3A_115 = arith.constant 0 : i32
    %dma_start3A_116 = tpu.memref_slice %arg2[%squeeze3A_111, %dma_start3A_115] : memref<100000x827xf32, #tpu.memory_space<hbm>> -> memref<1x827xf32, #tpu.memory_space<hbm>>
    %dma_start3A_117 = arith.constant 0 : i32
    %dma_start3A_118 = tpu.memref_slice %arg2[%squeeze3A_111, %dma_start3A_117] : memref<100000x827xf32, #tpu.memory_space<hbm>> -> memref<1x827xf32, #tpu.memory_space<hbm>>
    %dma_start3A_119 = arith.constant 9 : i32
    %dma_start3A_120 = arith.constant 0 : i32
    %dma_start3A_121 = tpu.memref_slice %arg7[%dma_start3A_119, %dma_start3A_120] : memref<16x827xf32, #tpu.memory_space<vmem>> -> memref<1x827xf32, #tpu.memory_space<vmem>>
    tpu.enqueue_dma source(%dma_start3A_121 : memref<1x827xf32, #tpu.memory_space<vmem>>) target(%dma_start3A_118 : memref<1x827xf32, #tpu.memory_space<hbm>>) target_semaphore(%arg8 : memref<!tpu.dma_semaphore, #tpu.memory_space<semaphore_mem>>)
    %slice3A_122 = vector.extract_strided_slice %get3A_4 {offsets = [10], sizes = [1], strides = [1]} : vector<16xi32> to vector<1xi32>
    %squeeze3A_123 = vector.extract %slice3A_122[0] : i32 from vector<1xi32>
    %dma_start3A_124 = arith.constant 10 : i32
    %dma_start3A_125 = arith.constant 0 : i32
    %dma_start3A_126 = tpu.memref_slice %arg7[%dma_start3A_124, %dma_start3A_125] : memref<16x827xf32, #tpu.memory_space<vmem>> -> memref<1x827xf32, #tpu.memory_space<vmem>>
    %dma_start3A_127 = arith.constant 0 : i32
    %dma_start3A_128 = tpu.memref_slice %arg2[%squeeze3A_123, %dma_start3A_127] : memref<100000x827xf32, #tpu.memory_space<hbm>> -> memref<1x827xf32, #tpu.memory_space<hbm>>
    %dma_start3A_129 = arith.constant 0 : i32
    %dma_start3A_130 = tpu.memref_slice %arg2[%squeeze3A_123, %dma_start3A_129] : memref<100000x827xf32, #tpu.memory_space<hbm>> -> memref<1x827xf32, #tpu.memory_space<hbm>>
    %dma_start3A_131 = arith.constant 10 : i32
    %dma_start3A_132 = arith.constant 0 : i32
    %dma_start3A_133 = tpu.memref_slice %arg7[%dma_start3A_131, %dma_start3A_132] : memref<16x827xf32, #tpu.memory_space<vmem>> -> memref<1x827xf32, #tpu.memory_space<vmem>>
    tpu.enqueue_dma source(%dma_start3A_133 : memref<1x827xf32, #tpu.memory_space<vmem>>) target(%dma_start3A_130 : memref<1x827xf32, #tpu.memory_space<hbm>>) target_semaphore(%arg8 : memref<!tpu.dma_semaphore, #tpu.memory_space<semaphore_mem>>)
    %slice3A_134 = vector.extract_strided_slice %get3A_4 {offsets = [11], sizes = [1], strides = [1]} : vector<16xi32> to vector<1xi32>
    %squeeze3A_135 = vector.extract %slice3A_134[0] : i32 from vector<1xi32>
    %dma_start3A_136 = arith.constant 11 : i32
    %dma_start3A_137 = arith.constant 0 : i32
    %dma_start3A_138 = tpu.memref_slice %arg7[%dma_start3A_136, %dma_start3A_137] : memref<16x827xf32, #tpu.memory_space<vmem>> -> memref<1x827xf32, #tpu.memory_space<vmem>>
    %dma_start3A_139 = arith.constant 0 : i32
    %dma_start3A_140 = tpu.memref_slice %arg2[%squeeze3A_135, %dma_start3A_139] : memref<100000x827xf32, #tpu.memory_space<hbm>> -> memref<1x827xf32, #tpu.memory_space<hbm>>
    %dma_start3A_141 = arith.constant 0 : i32
    %dma_start3A_142 = tpu.memref_slice %arg2[%squeeze3A_135, %dma_start3A_141] : memref<100000x827xf32, #tpu.memory_space<hbm>> -> memref<1x827xf32, #tpu.memory_space<hbm>>
    %dma_start3A_143 = arith.constant 11 : i32
    %dma_start3A_144 = arith.constant 0 : i32
    %dma_start3A_145 = tpu.memref_slice %arg7[%dma_start3A_143, %dma_start3A_144] : memref<16x827xf32, #tpu.memory_space<vmem>> -> memref<1x827xf32, #tpu.memory_space<vmem>>
    tpu.enqueue_dma source(%dma_start3A_145 : memref<1x827xf32, #tpu.memory_space<vmem>>) target(%dma_start3A_142 : memref<1x827xf32, #tpu.memory_space<hbm>>) target_semaphore(%arg8 : memref<!tpu.dma_semaphore, #tpu.memory_space<semaphore_mem>>)
    %slice3A_146 = vector.extract_strided_slice %get3A_4 {offsets = [12], sizes = [1], strides = [1]} : vector<16xi32> to vector<1xi32>
    %squeeze3A_147 = vector.extract %slice3A_146[0] : i32 from vector<1xi32>
    %dma_start3A_148 = arith.constant 12 : i32
    %dma_start3A_149 = arith.constant 0 : i32
    %dma_start3A_150 = tpu.memref_slice %arg7[%dma_start3A_148, %dma_start3A_149] : memref<16x827xf32, #tpu.memory_space<vmem>> -> memref<1x827xf32, #tpu.memory_space<vmem>>
    %dma_start3A_151 = arith.constant 0 : i32
    %dma_start3A_152 = tpu.memref_slice %arg2[%squeeze3A_147, %dma_start3A_151] : memref<100000x827xf32, #tpu.memory_space<hbm>> -> memref<1x827xf32, #tpu.memory_space<hbm>>
    %dma_start3A_153 = arith.constant 0 : i32
    %dma_start3A_154 = tpu.memref_slice %arg2[%squeeze3A_147, %dma_start3A_153] : memref<100000x827xf32, #tpu.memory_space<hbm>> -> memref<1x827xf32, #tpu.memory_space<hbm>>
    %dma_start3A_155 = arith.constant 12 : i32
    %dma_start3A_156 = arith.constant 0 : i32
    %dma_start3A_157 = tpu.memref_slice %arg7[%dma_start3A_155, %dma_start3A_156] : memref<16x827xf32, #tpu.memory_space<vmem>> -> memref<1x827xf32, #tpu.memory_space<vmem>>
    tpu.enqueue_dma source(%dma_start3A_157 : memref<1x827xf32, #tpu.memory_space<vmem>>) target(%dma_start3A_154 : memref<1x827xf32, #tpu.memory_space<hbm>>) target_semaphore(%arg8 : memref<!tpu.dma_semaphore, #tpu.memory_space<semaphore_mem>>)
    %slice3A_158 = vector.extract_strided_slice %get3A_4 {offsets = [13], sizes = [1], strides = [1]} : vector<16xi32> to vector<1xi32>
    %squeeze3A_159 = vector.extract %slice3A_158[0] : i32 from vector<1xi32>
    %dma_start3A_160 = arith.constant 13 : i32
    %dma_start3A_161 = arith.constant 0 : i32
    %dma_start3A_162 = tpu.memref_slice %arg7[%dma_start3A_160, %dma_start3A_161] : memref<16x827xf32, #tpu.memory_space<vmem>> -> memref<1x827xf32, #tpu.memory_space<vmem>>
    %dma_start3A_163 = arith.constant 0 : i32
    %dma_start3A_164 = tpu.memref_slice %arg2[%squeeze3A_159, %dma_start3A_163] : memref<100000x827xf32, #tpu.memory_space<hbm>> -> memref<1x827xf32, #tpu.memory_space<hbm>>
    %dma_start3A_165 = arith.constant 0 : i32
    %dma_start3A_166 = tpu.memref_slice %arg2[%squeeze3A_159, %dma_start3A_165] : memref<100000x827xf32, #tpu.memory_space<hbm>> -> memref<1x827xf32, #tpu.memory_space<hbm>>
    %dma_start3A_167 = arith.constant 13 : i32
    %dma_start3A_168 = arith.constant 0 : i32
    %dma_start3A_169 = tpu.memref_slice %arg7[%dma_start3A_167, %dma_start3A_168] : memref<16x827xf32, #tpu.memory_space<vmem>> -> memref<1x827xf32, #tpu.memory_space<vmem>>
    tpu.enqueue_dma source(%dma_start3A_169 : memref<1x827xf32, #tpu.memory_space<vmem>>) target(%dma_start3A_166 : memref<1x827xf32, #tpu.memory_space<hbm>>) target_semaphore(%arg8 : memref<!tpu.dma_semaphore, #tpu.memory_space<semaphore_mem>>)
    %slice3A_170 = vector.extract_strided_slice %get3A_4 {offsets = [14], sizes = [1], strides = [1]} : vector<16xi32> to vector<1xi32>
    %squeeze3A_171 = vector.extract %slice3A_170[0] : i32 from vector<1xi32>
    %dma_start3A_172 = arith.constant 14 : i32
    %dma_start3A_173 = arith.constant 0 : i32
    %dma_start3A_174 = tpu.memref_slice %arg7[%dma_start3A_172, %dma_start3A_173] : memref<16x827xf32, #tpu.memory_space<vmem>> -> memref<1x827xf32, #tpu.memory_space<vmem>>
    %dma_start3A_175 = arith.constant 0 : i32
    %dma_start3A_176 = tpu.memref_slice %arg2[%squeeze3A_171, %dma_start3A_175] : memref<100000x827xf32, #tpu.memory_space<hbm>> -> memref<1x827xf32, #tpu.memory_space<hbm>>
    %dma_start3A_177 = arith.constant 0 : i32
    %dma_start3A_178 = tpu.memref_slice %arg2[%squeeze3A_171, %dma_start3A_177] : memref<100000x827xf32, #tpu.memory_space<hbm>> -> memref<1x827xf32, #tpu.memory_space<hbm>>
    %dma_start3A_179 = arith.constant 14 : i32
    %dma_start3A_180 = arith.constant 0 : i32
    %dma_start3A_181 = tpu.memref_slice %arg7[%dma_start3A_179, %dma_start3A_180] : memref<16x827xf32, #tpu.memory_space<vmem>> -> memref<1x827xf32, #tpu.memory_space<vmem>>
    tpu.enqueue_dma source(%dma_start3A_181 : memref<1x827xf32, #tpu.memory_space<vmem>>) target(%dma_start3A_178 : memref<1x827xf32, #tpu.memory_space<hbm>>) target_semaphore(%arg8 : memref<!tpu.dma_semaphore, #tpu.memory_space<semaphore_mem>>)
    %slice3A_182 = vector.extract_strided_slice %get3A_4 {offsets = [15], sizes = [1], strides = [1]} : vector<16xi32> to vector<1xi32>
    %squeeze3A_183 = vector.extract %slice3A_182[0] : i32 from vector<1xi32>
    %dma_start3A_184 = arith.constant 15 : i32
    %dma_start3A_185 = arith.constant 0 : i32
    %dma_start3A_186 = tpu.memref_slice %arg7[%dma_start3A_184, %dma_start3A_185] : memref<16x827xf32, #tpu.memory_space<vmem>> -> memref<1x827xf32, #tpu.memory_space<vmem>>
    %dma_start3A_187 = arith.constant 0 : i32
    %dma_start3A_188 = tpu.memref_slice %arg2[%squeeze3A_183, %dma_start3A_187] : memref<100000x827xf32, #tpu.memory_space<hbm>> -> memref<1x827xf32, #tpu.memory_space<hbm>>
    %dma_start3A_189 = arith.constant 0 : i32
    %dma_start3A_190 = tpu.memref_slice %arg2[%squeeze3A_183, %dma_start3A_189] : memref<100000x827xf32, #tpu.memory_space<hbm>> -> memref<1x827xf32, #tpu.memory_space<hbm>>
    %dma_start3A_191 = arith.constant 15 : i32
    %dma_start3A_192 = arith.constant 0 : i32
    %dma_start3A_193 = tpu.memref_slice %arg7[%dma_start3A_191, %dma_start3A_192] : memref<16x827xf32, #tpu.memory_space<vmem>> -> memref<1x827xf32, #tpu.memory_space<vmem>>
    tpu.enqueue_dma source(%dma_start3A_193 : memref<1x827xf32, #tpu.memory_space<vmem>>) target(%dma_start3A_190 : memref<1x827xf32, #tpu.memory_space<hbm>>) target_semaphore(%arg8 : memref<!tpu.dma_semaphore, #tpu.memory_space<semaphore_mem>>)
    %dma_wait3A = arith.constant 0 : i32
    %dma_wait3A_194 = arith.constant 0 : i32
    %dma_wait3A_195 = tpu.memref_slice %arg7[%dma_wait3A, %dma_wait3A_194] : memref<16x827xf32, #tpu.memory_space<vmem>> -> memref<1x827xf32, #tpu.memory_space<vmem>>
    %dma_wait3A_196 = arith.constant 0 : i32
    %dma_wait3A_197 = tpu.memref_slice %arg2[%squeeze3A, %dma_wait3A_196] : memref<100000x827xf32, #tpu.memory_space<hbm>> -> memref<1x827xf32, #tpu.memory_space<hbm>>
    %dma_wait3A_198 = arith.constant 0 : i32
    %dma_wait3A_199 = tpu.memref_slice %arg2[%squeeze3A, %dma_wait3A_198] : memref<100000x827xf32, #tpu.memory_space<hbm>> -> memref<1x827xf32, #tpu.memory_space<hbm>>
    %dma_wait3A_200 = arith.constant 0 : i32
    %dma_wait3A_201 = arith.constant 0 : i32
    %dma_wait3A_202 = tpu.memref_slice %arg7[%dma_wait3A_200, %dma_wait3A_201] : memref<16x827xf32, #tpu.memory_space<vmem>> -> memref<1x827xf32, #tpu.memory_space<vmem>>
    tpu.wait_dma2 semaphore(%arg8 : memref<!tpu.dma_semaphore, #tpu.memory_space<semaphore_mem>>) src(%dma_wait3A_202 : memref<1x827xf32, #tpu.memory_space<vmem>>) dst(%dma_wait3A_199 : memref<1x827xf32, #tpu.memory_space<hbm>>)
    %dma_wait3A_203 = arith.constant 1 : i32
    %dma_wait3A_204 = arith.constant 0 : i32
    %dma_wait3A_205 = tpu.memref_slice %arg7[%dma_wait3A_203, %dma_wait3A_204] : memref<16x827xf32, #tpu.memory_space<vmem>> -> memref<1x827xf32, #tpu.memory_space<vmem>>
    %dma_wait3A_206 = arith.constant 0 : i32
    %dma_wait3A_207 = tpu.memref_slice %arg2[%squeeze3A_15, %dma_wait3A_206] : memref<100000x827xf32, #tpu.memory_space<hbm>> -> memref<1x827xf32, #tpu.memory_space<hbm>>
    %dma_wait3A_208 = arith.constant 0 : i32
    %dma_wait3A_209 = tpu.memref_slice %arg2[%squeeze3A_15, %dma_wait3A_208] : memref<100000x827xf32, #tpu.memory_space<hbm>> -> memref<1x827xf32, #tpu.memory_space<hbm>>
    %dma_wait3A_210 = arith.constant 1 : i32
    %dma_wait3A_211 = arith.constant 0 : i32
    %dma_wait3A_212 = tpu.memref_slice %arg7[%dma_wait3A_210, %dma_wait3A_211] : memref<16x827xf32, #tpu.memory_space<vmem>> -> memref<1x827xf32, #tpu.memory_space<vmem>>
    tpu.wait_dma2 semaphore(%arg8 : memref<!tpu.dma_semaphore, #tpu.memory_space<semaphore_mem>>) src(%dma_wait3A_212 : memref<1x827xf32, #tpu.memory_space<vmem>>) dst(%dma_wait3A_209 : memref<1x827xf32, #tpu.memory_space<hbm>>)
    %dma_wait3A_213 = arith.constant 2 : i32
    %dma_wait3A_214 = arith.constant 0 : i32
    %dma_wait3A_215 = tpu.memref_slice %arg7[%dma_wait3A_213, %dma_wait3A_214] : memref<16x827xf32, #tpu.memory_space<vmem>> -> memref<1x827xf32, #tpu.memory_space<vmem>>
    %dma_wait3A_216 = arith.constant 0 : i32
    %dma_wait3A_217 = tpu.memref_slice %arg2[%squeeze3A_27, %dma_wait3A_216] : memref<100000x827xf32, #tpu.memory_space<hbm>> -> memref<1x827xf32, #tpu.memory_space<hbm>>
    %dma_wait3A_218 = arith.constant 0 : i32
    %dma_wait3A_219 = tpu.memref_slice %arg2[%squeeze3A_27, %dma_wait3A_218] : memref<100000x827xf32, #tpu.memory_space<hbm>> -> memref<1x827xf32, #tpu.memory_space<hbm>>
    %dma_wait3A_220 = arith.constant 2 : i32
    %dma_wait3A_221 = arith.constant 0 : i32
    %dma_wait3A_222 = tpu.memref_slice %arg7[%dma_wait3A_220, %dma_wait3A_221] : memref<16x827xf32, #tpu.memory_space<vmem>> -> memref<1x827xf32, #tpu.memory_space<vmem>>
    tpu.wait_dma2 semaphore(%arg8 : memref<!tpu.dma_semaphore, #tpu.memory_space<semaphore_mem>>) src(%dma_wait3A_222 : memref<1x827xf32, #tpu.memory_space<vmem>>) dst(%dma_wait3A_219 : memref<1x827xf32, #tpu.memory_space<hbm>>)
    %dma_wait3A_223 = arith.constant 3 : i32
    %dma_wait3A_224 = arith.constant 0 : i32
    %dma_wait3A_225 = tpu.memref_slice %arg7[%dma_wait3A_223, %dma_wait3A_224] : memref<16x827xf32, #tpu.memory_space<vmem>> -> memref<1x827xf32, #tpu.memory_space<vmem>>
    %dma_wait3A_226 = arith.constant 0 : i32
    %dma_wait3A_227 = tpu.memref_slice %arg2[%squeeze3A_39, %dma_wait3A_226] : memref<100000x827xf32, #tpu.memory_space<hbm>> -> memref<1x827xf32, #tpu.memory_space<hbm>>
    %dma_wait3A_228 = arith.constant 0 : i32
    %dma_wait3A_229 = tpu.memref_slice %arg2[%squeeze3A_39, %dma_wait3A_228] : memref<100000x827xf32, #tpu.memory_space<hbm>> -> memref<1x827xf32, #tpu.memory_space<hbm>>
    %dma_wait3A_230 = arith.constant 3 : i32
    %dma_wait3A_231 = arith.constant 0 : i32
    %dma_wait3A_232 = tpu.memref_slice %arg7[%dma_wait3A_230, %dma_wait3A_231] : memref<16x827xf32, #tpu.memory_space<vmem>> -> memref<1x827xf32, #tpu.memory_space<vmem>>
    tpu.wait_dma2 semaphore(%arg8 : memref<!tpu.dma_semaphore, #tpu.memory_space<semaphore_mem>>) src(%dma_wait3A_232 : memref<1x827xf32, #tpu.memory_space<vmem>>) dst(%dma_wait3A_229 : memref<1x827xf32, #tpu.memory_space<hbm>>)
    %dma_wait3A_233 = arith.constant 4 : i32
    %dma_wait3A_234 = arith.constant 0 : i32
    %dma_wait3A_235 = tpu.memref_slice %arg7[%dma_wait3A_233, %dma_wait3A_234] : memref<16x827xf32, #tpu.memory_space<vmem>> -> memref<1x827xf32, #tpu.memory_space<vmem>>
    %dma_wait3A_236 = arith.constant 0 : i32
    %dma_wait3A_237 = tpu.memref_slice %arg2[%squeeze3A_51, %dma_wait3A_236] : memref<100000x827xf32, #tpu.memory_space<hbm>> -> memref<1x827xf32, #tpu.memory_space<hbm>>
    %dma_wait3A_238 = arith.constant 0 : i32
    %dma_wait3A_239 = tpu.memref_slice %arg2[%squeeze3A_51, %dma_wait3A_238] : memref<100000x827xf32, #tpu.memory_space<hbm>> -> memref<1x827xf32, #tpu.memory_space<hbm>>
    %dma_wait3A_240 = arith.constant 4 : i32
    %dma_wait3A_241 = arith.constant 0 : i32
    %dma_wait3A_242 = tpu.memref_slice %arg7[%dma_wait3A_240, %dma_wait3A_241] : memref<16x827xf32, #tpu.memory_space<vmem>> -> memref<1x827xf32, #tpu.memory_space<vmem>>
    tpu.wait_dma2 semaphore(%arg8 : memref<!tpu.dma_semaphore, #tpu.memory_space<semaphore_mem>>) src(%dma_wait3A_242 : memref<1x827xf32, #tpu.memory_space<vmem>>) dst(%dma_wait3A_239 : memref<1x827xf32, #tpu.memory_space<hbm>>)
    %dma_wait3A_243 = arith.constant 5 : i32
    %dma_wait3A_244 = arith.constant 0 : i32
    %dma_wait3A_245 = tpu.memref_slice %arg7[%dma_wait3A_243, %dma_wait3A_244] : memref<16x827xf32, #tpu.memory_space<vmem>> -> memref<1x827xf32, #tpu.memory_space<vmem>>
    %dma_wait3A_246 = arith.constant 0 : i32
    %dma_wait3A_247 = tpu.memref_slice %arg2[%squeeze3A_63, %dma_wait3A_246] : memref<100000x827xf32, #tpu.memory_space<hbm>> -> memref<1x827xf32, #tpu.memory_space<hbm>>
    %dma_wait3A_248 = arith.constant 0 : i32
    %dma_wait3A_249 = tpu.memref_slice %arg2[%squeeze3A_63, %dma_wait3A_248] : memref<100000x827xf32, #tpu.memory_space<hbm>> -> memref<1x827xf32, #tpu.memory_space<hbm>>
    %dma_wait3A_250 = arith.constant 5 : i32
    %dma_wait3A_251 = arith.constant 0 : i32
    %dma_wait3A_252 = tpu.memref_slice %arg7[%dma_wait3A_250, %dma_wait3A_251] : memref<16x827xf32, #tpu.memory_space<vmem>> -> memref<1x827xf32, #tpu.memory_space<vmem>>
    tpu.wait_dma2 semaphore(%arg8 : memref<!tpu.dma_semaphore, #tpu.memory_space<semaphore_mem>>) src(%dma_wait3A_252 : memref<1x827xf32, #tpu.memory_space<vmem>>) dst(%dma_wait3A_249 : memref<1x827xf32, #tpu.memory_space<hbm>>)
    %dma_wait3A_253 = arith.constant 6 : i32
    %dma_wait3A_254 = arith.constant 0 : i32
    %dma_wait3A_255 = tpu.memref_slice %arg7[%dma_wait3A_253, %dma_wait3A_254] : memref<16x827xf32, #tpu.memory_space<vmem>> -> memref<1x827xf32, #tpu.memory_space<vmem>>
    %dma_wait3A_256 = arith.constant 0 : i32
    %dma_wait3A_257 = tpu.memref_slice %arg2[%squeeze3A_75, %dma_wait3A_256] : memref<100000x827xf32, #tpu.memory_space<hbm>> -> memref<1x827xf32, #tpu.memory_space<hbm>>
    %dma_wait3A_258 = arith.constant 0 : i32
    %dma_wait3A_259 = tpu.memref_slice %arg2[%squeeze3A_75, %dma_wait3A_258] : memref<100000x827xf32, #tpu.memory_space<hbm>> -> memref<1x827xf32, #tpu.memory_space<hbm>>
    %dma_wait3A_260 = arith.constant 6 : i32
    %dma_wait3A_261 = arith.constant 0 : i32
    %dma_wait3A_262 = tpu.memref_slice %arg7[%dma_wait3A_260, %dma_wait3A_261] : memref<16x827xf32, #tpu.memory_space<vmem>> -> memref<1x827xf32, #tpu.memory_space<vmem>>
    tpu.wait_dma2 semaphore(%arg8 : memref<!tpu.dma_semaphore, #tpu.memory_space<semaphore_mem>>) src(%dma_wait3A_262 : memref<1x827xf32, #tpu.memory_space<vmem>>) dst(%dma_wait3A_259 : memref<1x827xf32, #tpu.memory_space<hbm>>)
    %dma_wait3A_263 = arith.constant 7 : i32
    %dma_wait3A_264 = arith.constant 0 : i32
    %dma_wait3A_265 = tpu.memref_slice %arg7[%dma_wait3A_263, %dma_wait3A_264] : memref<16x827xf32, #tpu.memory_space<vmem>> -> memref<1x827xf32, #tpu.memory_space<vmem>>
    %dma_wait3A_266 = arith.constant 0 : i32
    %dma_wait3A_267 = tpu.memref_slice %arg2[%squeeze3A_87, %dma_wait3A_266] : memref<100000x827xf32, #tpu.memory_space<hbm>> -> memref<1x827xf32, #tpu.memory_space<hbm>>
    %dma_wait3A_268 = arith.constant 0 : i32
    %dma_wait3A_269 = tpu.memref_slice %arg2[%squeeze3A_87, %dma_wait3A_268] : memref<100000x827xf32, #tpu.memory_space<hbm>> -> memref<1x827xf32, #tpu.memory_space<hbm>>
    %dma_wait3A_270 = arith.constant 7 : i32
    %dma_wait3A_271 = arith.constant 0 : i32
    %dma_wait3A_272 = tpu.memref_slice %arg7[%dma_wait3A_270, %dma_wait3A_271] : memref<16x827xf32, #tpu.memory_space<vmem>> -> memref<1x827xf32, #tpu.memory_space<vmem>>
    tpu.wait_dma2 semaphore(%arg8 : memref<!tpu.dma_semaphore, #tpu.memory_space<semaphore_mem>>) src(%dma_wait3A_272 : memref<1x827xf32, #tpu.memory_space<vmem>>) dst(%dma_wait3A_269 : memref<1x827xf32, #tpu.memory_space<hbm>>)
    %dma_wait3A_273 = arith.constant 8 : i32
    %dma_wait3A_274 = arith.constant 0 : i32
    %dma_wait3A_275 = tpu.memref_slice %arg7[%dma_wait3A_273, %dma_wait3A_274] : memref<16x827xf32, #tpu.memory_space<vmem>> -> memref<1x827xf32, #tpu.memory_space<vmem>>
    %dma_wait3A_276 = arith.constant 0 : i32
    %dma_wait3A_277 = tpu.memref_slice %arg2[%squeeze3A_99, %dma_wait3A_276] : memref<100000x827xf32, #tpu.memory_space<hbm>> -> memref<1x827xf32, #tpu.memory_space<hbm>>
    %dma_wait3A_278 = arith.constant 0 : i32
    %dma_wait3A_279 = tpu.memref_slice %arg2[%squeeze3A_99, %dma_wait3A_278] : memref<100000x827xf32, #tpu.memory_space<hbm>> -> memref<1x827xf32, #tpu.memory_space<hbm>>
    %dma_wait3A_280 = arith.constant 8 : i32
    %dma_wait3A_281 = arith.constant 0 : i32
    %dma_wait3A_282 = tpu.memref_slice %arg7[%dma_wait3A_280, %dma_wait3A_281] : memref<16x827xf32, #tpu.memory_space<vmem>> -> memref<1x827xf32, #tpu.memory_space<vmem>>
    tpu.wait_dma2 semaphore(%arg8 : memref<!tpu.dma_semaphore, #tpu.memory_space<semaphore_mem>>) src(%dma_wait3A_282 : memref<1x827xf32, #tpu.memory_space<vmem>>) dst(%dma_wait3A_279 : memref<1x827xf32, #tpu.memory_space<hbm>>)
    %dma_wait3A_283 = arith.constant 9 : i32
    %dma_wait3A_284 = arith.constant 0 : i32
    %dma_wait3A_285 = tpu.memref_slice %arg7[%dma_wait3A_283, %dma_wait3A_284] : memref<16x827xf32, #tpu.memory_space<vmem>> -> memref<1x827xf32, #tpu.memory_space<vmem>>
    %dma_wait3A_286 = arith.constant 0 : i32
    %dma_wait3A_287 = tpu.memref_slice %arg2[%squeeze3A_111, %dma_wait3A_286] : memref<100000x827xf32, #tpu.memory_space<hbm>> -> memref<1x827xf32, #tpu.memory_space<hbm>>
    %dma_wait3A_288 = arith.constant 0 : i32
    %dma_wait3A_289 = tpu.memref_slice %arg2[%squeeze3A_111, %dma_wait3A_288] : memref<100000x827xf32, #tpu.memory_space<hbm>> -> memref<1x827xf32, #tpu.memory_space<hbm>>
    %dma_wait3A_290 = arith.constant 9 : i32
    %dma_wait3A_291 = arith.constant 0 : i32
    %dma_wait3A_292 = tpu.memref_slice %arg7[%dma_wait3A_290, %dma_wait3A_291] : memref<16x827xf32, #tpu.memory_space<vmem>> -> memref<1x827xf32, #tpu.memory_space<vmem>>
    tpu.wait_dma2 semaphore(%arg8 : memref<!tpu.dma_semaphore, #tpu.memory_space<semaphore_mem>>) src(%dma_wait3A_292 : memref<1x827xf32, #tpu.memory_space<vmem>>) dst(%dma_wait3A_289 : memref<1x827xf32, #tpu.memory_space<hbm>>)
    %dma_wait3A_293 = arith.constant 10 : i32
    %dma_wait3A_294 = arith.constant 0 : i32
    %dma_wait3A_295 = tpu.memref_slice %arg7[%dma_wait3A_293, %dma_wait3A_294] : memref<16x827xf32, #tpu.memory_space<vmem>> -> memref<1x827xf32, #tpu.memory_space<vmem>>
    %dma_wait3A_296 = arith.constant 0 : i32
    %dma_wait3A_297 = tpu.memref_slice %arg2[%squeeze3A_123, %dma_wait3A_296] : memref<100000x827xf32, #tpu.memory_space<hbm>> -> memref<1x827xf32, #tpu.memory_space<hbm>>
    %dma_wait3A_298 = arith.constant 0 : i32
    %dma_wait3A_299 = tpu.memref_slice %arg2[%squeeze3A_123, %dma_wait3A_298] : memref<100000x827xf32, #tpu.memory_space<hbm>> -> memref<1x827xf32, #tpu.memory_space<hbm>>
    %dma_wait3A_300 = arith.constant 10 : i32
    %dma_wait3A_301 = arith.constant 0 : i32
    %dma_wait3A_302 = tpu.memref_slice %arg7[%dma_wait3A_300, %dma_wait3A_301] : memref<16x827xf32, #tpu.memory_space<vmem>> -> memref<1x827xf32, #tpu.memory_space<vmem>>
    tpu.wait_dma2 semaphore(%arg8 : memref<!tpu.dma_semaphore, #tpu.memory_space<semaphore_mem>>) src(%dma_wait3A_302 : memref<1x827xf32, #tpu.memory_space<vmem>>) dst(%dma_wait3A_299 : memref<1x827xf32, #tpu.memory_space<hbm>>)
    %dma_wait3A_303 = arith.constant 11 : i32
    %dma_wait3A_304 = arith.constant 0 : i32
    %dma_wait3A_305 = tpu.memref_slice %arg7[%dma_wait3A_303, %dma_wait3A_304] : memref<16x827xf32, #tpu.memory_space<vmem>> -> memref<1x827xf32, #tpu.memory_space<vmem>>
    %dma_wait3A_306 = arith.constant 0 : i32
    %dma_wait3A_307 = tpu.memref_slice %arg2[%squeeze3A_135, %dma_wait3A_306] : memref<100000x827xf32, #tpu.memory_space<hbm>> -> memref<1x827xf32, #tpu.memory_space<hbm>>
    %dma_wait3A_308 = arith.constant 0 : i32
    %dma_wait3A_309 = tpu.memref_slice %arg2[%squeeze3A_135, %dma_wait3A_308] : memref<100000x827xf32, #tpu.memory_space<hbm>> -> memref<1x827xf32, #tpu.memory_space<hbm>>
    %dma_wait3A_310 = arith.constant 11 : i32
    %dma_wait3A_311 = arith.constant 0 : i32
    %dma_wait3A_312 = tpu.memref_slice %arg7[%dma_wait3A_310, %dma_wait3A_311] : memref<16x827xf32, #tpu.memory_space<vmem>> -> memref<1x827xf32, #tpu.memory_space<vmem>>
    tpu.wait_dma2 semaphore(%arg8 : memref<!tpu.dma_semaphore, #tpu.memory_space<semaphore_mem>>) src(%dma_wait3A_312 : memref<1x827xf32, #tpu.memory_space<vmem>>) dst(%dma_wait3A_309 : memref<1x827xf32, #tpu.memory_space<hbm>>)
    %dma_wait3A_313 = arith.constant 12 : i32
    %dma_wait3A_314 = arith.constant 0 : i32
    %dma_wait3A_315 = tpu.memref_slice %arg7[%dma_wait3A_313, %dma_wait3A_314] : memref<16x827xf32, #tpu.memory_space<vmem>> -> memref<1x827xf32, #tpu.memory_space<vmem>>
    %dma_wait3A_316 = arith.constant 0 : i32
    %dma_wait3A_317 = tpu.memref_slice %arg2[%squeeze3A_147, %dma_wait3A_316] : memref<100000x827xf32, #tpu.memory_space<hbm>> -> memref<1x827xf32, #tpu.memory_space<hbm>>
    %dma_wait3A_318 = arith.constant 0 : i32
    %dma_wait3A_319 = tpu.memref_slice %arg2[%squeeze3A_147, %dma_wait3A_318] : memref<100000x827xf32, #tpu.memory_space<hbm>> -> memref<1x827xf32, #tpu.memory_space<hbm>>
    %dma_wait3A_320 = arith.constant 12 : i32
    %dma_wait3A_321 = arith.constant 0 : i32
    %dma_wait3A_322 = tpu.memref_slice %arg7[%dma_wait3A_320, %dma_wait3A_321] : memref<16x827xf32, #tpu.memory_space<vmem>> -> memref<1x827xf32, #tpu.memory_space<vmem>>
    tpu.wait_dma2 semaphore(%arg8 : memref<!tpu.dma_semaphore, #tpu.memory_space<semaphore_mem>>) src(%dma_wait3A_322 : memref<1x827xf32, #tpu.memory_space<vmem>>) dst(%dma_wait3A_319 : memref<1x827xf32, #tpu.memory_space<hbm>>)
    %dma_wait3A_323 = arith.constant 13 : i32
    %dma_wait3A_324 = arith.constant 0 : i32
    %dma_wait3A_325 = tpu.memref_slice %arg7[%dma_wait3A_323, %dma_wait3A_324] : memref<16x827xf32, #tpu.memory_space<vmem>> -> memref<1x827xf32, #tpu.memory_space<vmem>>
    %dma_wait3A_326 = arith.constant 0 : i32
    %dma_wait3A_327 = tpu.memref_slice %arg2[%squeeze3A_159, %dma_wait3A_326] : memref<100000x827xf32, #tpu.memory_space<hbm>> -> memref<1x827xf32, #tpu.memory_space<hbm>>
    %dma_wait3A_328 = arith.constant 0 : i32
    %dma_wait3A_329 = tpu.memref_slice %arg2[%squeeze3A_159, %dma_wait3A_328] : memref<100000x827xf32, #tpu.memory_space<hbm>> -> memref<1x827xf32, #tpu.memory_space<hbm>>
    %dma_wait3A_330 = arith.constant 13 : i32
    %dma_wait3A_331 = arith.constant 0 : i32
    %dma_wait3A_332 = tpu.memref_slice %arg7[%dma_wait3A_330, %dma_wait3A_331] : memref<16x827xf32, #tpu.memory_space<vmem>> -> memref<1x827xf32, #tpu.memory_space<vmem>>
    tpu.wait_dma2 semaphore(%arg8 : memref<!tpu.dma_semaphore, #tpu.memory_space<semaphore_mem>>) src(%dma_wait3A_332 : memref<1x827xf32, #tpu.memory_space<vmem>>) dst(%dma_wait3A_329 : memref<1x827xf32, #tpu.memory_space<hbm>>)
    %dma_wait3A_333 = arith.constant 14 : i32
    %dma_wait3A_334 = arith.constant 0 : i32
    %dma_wait3A_335 = tpu.memref_slice %arg7[%dma_wait3A_333, %dma_wait3A_334] : memref<16x827xf32, #tpu.memory_space<vmem>> -> memref<1x827xf32, #tpu.memory_space<vmem>>
    %dma_wait3A_336 = arith.constant 0 : i32
    %dma_wait3A_337 = tpu.memref_slice %arg2[%squeeze3A_171, %dma_wait3A_336] : memref<100000x827xf32, #tpu.memory_space<hbm>> -> memref<1x827xf32, #tpu.memory_space<hbm>>
    %dma_wait3A_338 = arith.constant 0 : i32
    %dma_wait3A_339 = tpu.memref_slice %arg2[%squeeze3A_171, %dma_wait3A_338] : memref<100000x827xf32, #tpu.memory_space<hbm>> -> memref<1x827xf32, #tpu.memory_space<hbm>>
    %dma_wait3A_340 = arith.constant 14 : i32
    %dma_wait3A_341 = arith.constant 0 : i32
    %dma_wait3A_342 = tpu.memref_slice %arg7[%dma_wait3A_340, %dma_wait3A_341] : memref<16x827xf32, #tpu.memory_space<vmem>> -> memref<1x827xf32, #tpu.memory_space<vmem>>
    tpu.wait_dma2 semaphore(%arg8 : memref<!tpu.dma_semaphore, #tpu.memory_space<semaphore_mem>>) src(%dma_wait3A_342 : memref<1x827xf32, #tpu.memory_space<vmem>>) dst(%dma_wait3A_339 : memref<1x827xf32, #tpu.memory_space<hbm>>)
    %dma_wait3A_343 = arith.constant 15 : i32
    %dma_wait3A_344 = arith.constant 0 : i32
    %dma_wait3A_345 = tpu.memref_slice %arg7[%dma_wait3A_343, %dma_wait3A_344] : memref<16x827xf32, #tpu.memory_space<vmem>> -> memref<1x827xf32, #tpu.memory_space<vmem>>
    %dma_wait3A_346 = arith.constant 0 : i32
    %dma_wait3A_347 = tpu.memref_slice %arg2[%squeeze3A_183, %dma_wait3A_346] : memref<100000x827xf32, #tpu.memory_space<hbm>> -> memref<1x827xf32, #tpu.memory_space<hbm>>
    %dma_wait3A_348 = arith.constant 0 : i32
    %dma_wait3A_349 = tpu.memref_slice %arg2[%squeeze3A_183, %dma_wait3A_348] : memref<100000x827xf32, #tpu.memory_space<hbm>> -> memref<1x827xf32, #tpu.memory_space<hbm>>
    %dma_wait3A_350 = arith.constant 15 : i32
    %dma_wait3A_351 = arith.constant 0 : i32
    %dma_wait3A_352 = tpu.memref_slice %arg7[%dma_wait3A_350, %dma_wait3A_351] : memref<16x827xf32, #tpu.memory_space<vmem>> -> memref<1x827xf32, #tpu.memory_space<vmem>>
    tpu.wait_dma2 semaphore(%arg8 : memref<!tpu.dma_semaphore, #tpu.memory_space<semaphore_mem>>) src(%dma_wait3A_352 : memref<1x827xf32, #tpu.memory_space<vmem>>) dst(%dma_wait3A_349 : memref<1x827xf32, #tpu.memory_space<hbm>>)
    return
  }
}

module attributes {stable_mosaic.version = 14 : i64} {
  func.func @_k1_body(%arg0: i32, %arg1: memref<512x512xf32, #tpu.memory_space<vmem>>, %arg2: memref<1000x512xf32, #tpu.memory_space<vmem>>, %arg3: memref<1000x313xf32, #tpu.memory_space<vmem>>, %arg4: memref<1000x1xf32, #tpu.memory_space<vmem>>, %arg5: memref<1000x1xf32, #tpu.memory_space<vmem>>, %arg6: memref<1000x1xf32, #tpu.memory_space<vmem>>, %arg7: memref<1000x827xf32, #tpu.memory_space<vmem>>, %arg8: memref<512x1xi32, #tpu.memory_space<vmem>>, %arg9: memref<1000x1xf32, #tpu.memory_space<vmem>>, %arg10: memref<512x1xf32, #tpu.memory_space<vmem>>, %arg11: memref<512x1xi32, #tpu.memory_space<vmem>>) attributes {dimension_semantics = [#tpu.dimension_semantics<arbitrary>], iteration_bounds = array<i64: 100>, scalar_prefetch = 0 : i64, scratch_operands = 2 : i64, tpu.core_type = #tpu.core_type<tc>, window_params = [{pipeline_mode = #tpu.pipeline_mode<synchronous>, transform_indices = @transform_0, window_bounds = array<i64: 512, 512>}, {transform_indices = @transform_1, window_bounds = array<i64: 1000, 512>}, {transform_indices = @transform_2, window_bounds = array<i64: 1000, 313>}, {transform_indices = @transform_3, window_bounds = array<i64: 1000, 1>}, {transform_indices = @transform_4, window_bounds = array<i64: 1000, 1>}, {transform_indices = @transform_5, window_bounds = array<i64: 1000, 1>}, {transform_indices = @transform_6, window_bounds = array<i64: 1000, 827>}, {pipeline_mode = #tpu.pipeline_mode<synchronous>, transform_indices = @transform_7, window_bounds = array<i64: 512, 1>}, {transform_indices = @transform_8, window_bounds = array<i64: 1000, 1>}]} {
    %eq3A = arith.constant 0 : i32
    %eq3A_0 = arith.cmpi eq, %arg0, %eq3A : i32
    %convert_element_type3A = arith.extui %eq3A_0 : i1 to i32
    %cond3A = arith.constant 0 : i32
    %cond3A_1 = arith.cmpi ne, %convert_element_type3A, %cond3A : i32
    scf.if %cond3A_1 {
      %broadcast_in_dim3A_60 = arith.constant 0xFF800000 : f32
      %broadcast_in_dim3A_61 = vector.broadcast %broadcast_in_dim3A_60 : f32 to vector<512x1xf32>
      %swap3A_62 = arith.constant 0 : index
      %swap3A_63 = arith.constant 0 : index
      %swap3A_64 = vector.load %arg10[%swap3A_62, %swap3A_63] : memref<512x1xf32, #tpu.memory_space<vmem>>, vector<512x1xf32>
      tpu.vector_store %arg10[%swap3A_62, %swap3A_63], %broadcast_in_dim3A_61 {strides = array<i32>} : memref<512x1xf32, #tpu.memory_space<vmem>>, vector<512x1xf32>,
      %broadcast_in_dim3A_65 = arith.constant 0 : i32
      %broadcast_in_dim3A_66 = vector.broadcast %broadcast_in_dim3A_65 : i32 to vector<512x1xi32>
      %swap3A_67 = arith.constant 0 : index
      %swap3A_68 = arith.constant 0 : index
      %swap3A_69 = vector.load %arg11[%swap3A_67, %swap3A_68] : memref<512x1xi32, #tpu.memory_space<vmem>>, vector<512x1xi32>
      tpu.vector_store %arg11[%swap3A_67, %swap3A_68], %broadcast_in_dim3A_66 {strides = array<i32>} : memref<512x1xi32, #tpu.memory_space<vmem>>, vector<512x1xi32>,
    } else {
    }
    %get3A = arith.constant 0 : index
    %get3A_2 = arith.constant 0 : index
    %get3A_3 = vector.load %arg2[%get3A, %get3A_2] : memref<1000x512xf32, #tpu.memory_space<vmem>>, vector<1000x512xf32>
    %get3A_4 = arith.constant 0 : index
    %get3A_5 = arith.constant 0 : index
    %get3A_6 = vector.load %arg1[%get3A_4, %get3A_5] : memref<512x512xf32, #tpu.memory_space<vmem>>, vector<512x512xf32>
    %dot_general3A = arith.constant dense<0.000000e+00> : vector<512x1000xf32>
    %dot_general3A_7 = tpu.matmul %get3A_6, %get3A_3, %dot_general3A {dimension_numbers = #tpu.dot_dimension_numbers<[1], [1], [0], [0], [0, 0, 1, 0], [], []>, transpose_lhs_hint = false} : vector<512x512xf32>, vector<1000x512xf32>, vector<512x1000xf32> -> vector<512x1000xf32>
    %reduce_max3A = arith.constant dense<0xFF800000> : vector<512xf32>
    %reduce_max3A_8 = vector.multi_reduction <maximumf>, %dot_general3A_7, %reduce_max3A [1] : vector<512x1000xf32> to vector<512xf32>
    %broadcast_in_dim3A = vector.shape_cast %reduce_max3A_8 : vector<512xf32> to vector<512x1xf32>
    %iota3A = tpu.iota {dimensions = array<i32: 1>} : vector<512x1000xi32>
    %eq3A_9 = vector.broadcast %broadcast_in_dim3A : vector<512x1xf32> to vector<512x1000xf32>
    %eq3A_10 = arith.cmpf oeq, %dot_general3A_7, %eq3A_9 : vector<512x1000xf32>
    %jit3A = arith.constant 1073741824 : i32
    %broadcast_in_dim3A_11 = vector.broadcast %jit3A : i32 to vector<512x1000xi32>
    %select_n3A = arith.select %eq3A_10, %iota3A, %broadcast_in_dim3A_11 : vector<512x1000xi1>, vector<512x1000xi32>
    %reduce_min3A = arith.constant dense<2147483647> : vector<512xi32>
    %reduce_min3A_12 = vector.multi_reduction <minsi>, %select_n3A, %reduce_min3A [1] : vector<512x1000xi32> to vector<512xi32>
    %broadcast_in_dim3A_13 = vector.shape_cast %reduce_min3A_12 : vector<512xi32> to vector<512x1xi32>
    %get3A_14 = arith.constant 0 : index
    %get3A_15 = arith.constant 0 : index
    %get3A_16 = vector.load %arg10[%get3A_14, %get3A_15] : memref<512x1xf32, #tpu.memory_space<vmem>>, vector<512x1xf32>
    %gt3A = arith.cmpf ogt, %broadcast_in_dim3A, %get3A_16 : vector<512x1xf32>
    %mul3A = arith.constant 1000 : i32
    %mul3A_17 = arith.muli %arg0, %mul3A : i32
    %add3A = vector.broadcast %mul3A_17 : i32 to vector<512x1xi32>
    %add3A_18 = arith.addi %broadcast_in_dim3A_13, %add3A : vector<512x1xi32>
    %get3A_19 = arith.constant 0 : index
    %get3A_20 = arith.constant 0 : index
    %get3A_21 = vector.load %arg11[%get3A_19, %get3A_20] : memref<512x1xi32, #tpu.memory_space<vmem>>, vector<512x1xi32>
    %select_n3A_22 = arith.select %gt3A, %add3A_18, %get3A_21 : vector<512x1xi1>, vector<512x1xi32>
    %swap3A = arith.constant 0 : index
    %swap3A_23 = arith.constant 0 : index
    %swap3A_24 = vector.load %arg11[%swap3A, %swap3A_23] : memref<512x1xi32, #tpu.memory_space<vmem>>, vector<512x1xi32>
    tpu.vector_store %arg11[%swap3A, %swap3A_23], %select_n3A_22 {strides = array<i32>} : memref<512x1xi32, #tpu.memory_space<vmem>>, vector<512x1xi32>,
    %get3A_25 = arith.constant 0 : index
    %get3A_26 = arith.constant 0 : index
    %get3A_27 = vector.load %arg10[%get3A_25, %get3A_26] : memref<512x1xf32, #tpu.memory_space<vmem>>, vector<512x1xf32>
    %select_n3A_28 = arith.select %gt3A, %broadcast_in_dim3A, %get3A_27 : vector<512x1xi1>, vector<512x1xf32>
    %swap3A_29 = arith.constant 0 : index
    %swap3A_30 = arith.constant 0 : index
    %swap3A_31 = vector.load %arg10[%swap3A_29, %swap3A_30] : memref<512x1xf32, #tpu.memory_space<vmem>>, vector<512x1xf32>
    tpu.vector_store %arg10[%swap3A_29, %swap3A_30], %select_n3A_28 {strides = array<i32>} : memref<512x1xf32, #tpu.memory_space<vmem>>, vector<512x1xf32>,
    %get3A_32 = arith.constant 0 : index
    %get3A_33 = arith.constant 0 : index
    %get3A_34 = vector.load %arg11[%get3A_32, %get3A_33] : memref<512x1xi32, #tpu.memory_space<vmem>>, vector<512x1xi32>
    %swap3A_35 = arith.constant 0 : index
    %swap3A_36 = arith.constant 0 : index
    %swap3A_37 = vector.load %arg8[%swap3A_35, %swap3A_36] : memref<512x1xi32, #tpu.memory_space<vmem>>, vector<512x1xi32>
    tpu.vector_store %arg8[%swap3A_35, %swap3A_36], %get3A_34 {strides = array<i32>} : memref<512x1xi32, #tpu.memory_space<vmem>>, vector<512x1xi32>,
    %get3A_38 = arith.constant 0 : index
    %get3A_39 = arith.constant 0 : index
    %get3A_40 = vector.load %arg4[%get3A_38, %get3A_39] : memref<1000x1xf32, #tpu.memory_space<vmem>>, vector<1000x1xf32>
    %add3A_41 = arith.constant 1.000000e+00 : f32
    %add3A_42 = vector.broadcast %add3A_41 : f32 to vector<1000x1xf32>
    %add3A_43 = arith.addf %get3A_40, %add3A_42 : vector<1000x1xf32>
    %get3A_44 = arith.constant 0 : index
    %get3A_45 = arith.constant 0 : index
    %get3A_46 = vector.load %arg3[%get3A_44, %get3A_45] : memref<1000x313xf32, #tpu.memory_space<vmem>>, vector<1000x313xf32>
    %get3A_47 = arith.constant 0 : index
    %get3A_48 = arith.constant 0 : index
    %get3A_49 = vector.load %arg5[%get3A_47, %get3A_48] : memref<1000x1xf32, #tpu.memory_space<vmem>>, vector<1000x1xf32>
    %concatenate3A = tpu.concatenate %get3A_3, %get3A_46, %add3A_43, %get3A_49 in 1 : vector<1000x512xf32>, vector<1000x313xf32>, vector<1000x1xf32>, vector<1000x1xf32> -> vector<1000x827xf32>
    %swap3A_50 = arith.constant 0 : index
    %swap3A_51 = arith.constant 0 : index
    %swap3A_52 = vector.load %arg7[%swap3A_50, %swap3A_51] : memref<1000x827xf32, #tpu.memory_space<vmem>>, vector<1000x827xf32>
    tpu.vector_store %arg7[%swap3A_50, %swap3A_51], %concatenate3A {strides = array<i32>} : memref<1000x827xf32, #tpu.memory_space<vmem>>, vector<1000x827xf32>,
    %get3A_53 = arith.constant 0 : index
    %get3A_54 = arith.constant 0 : index
    %get3A_55 = vector.load %arg6[%get3A_53, %get3A_54] : memref<1000x1xf32, #tpu.memory_space<vmem>>, vector<1000x1xf32>
    %add3A_56 = arith.addf %add3A_43, %get3A_55 : vector<1000x1xf32>
    %swap3A_57 = arith.constant 0 : index
    %swap3A_58 = arith.constant 0 : index
    %swap3A_59 = vector.load %arg9[%swap3A_57, %swap3A_58] : memref<1000x1xf32, #tpu.memory_space<vmem>>, vector<1000x1xf32>
    tpu.vector_store %arg9[%swap3A_57, %swap3A_58], %add3A_56 {strides = array<i32>} : memref<1000x1xf32, #tpu.memory_space<vmem>>, vector<1000x1xf32>,
    return
  }
  func.func @transform_0(%arg0: i32) -> (i32, i32) {
    %c0_i32 = arith.constant 0 : i32
    %c0_i32_0 = arith.constant 0 : i32
    %c0_i32_1 = arith.constant 0 : i32
    return %c0_i32, %c0_i32_0 : i32, i32
  }
  func.func @transform_1(%arg0: i32) -> (i32, i32) {
    %c0_i32 = arith.constant 0 : i32
    %c0_i32_0 = arith.constant 0 : i32
    return %arg0, %c0_i32 : i32, i32
  }
  func.func @transform_2(%arg0: i32) -> (i32, i32) {
    %c0_i32 = arith.constant 0 : i32
    %c0_i32_0 = arith.constant 0 : i32
    return %arg0, %c0_i32 : i32, i32
  }
  func.func @transform_3(%arg0: i32) -> (i32, i32) {
    %c0_i32 = arith.constant 0 : i32
    %c0_i32_0 = arith.constant 0 : i32
    return %arg0, %c0_i32 : i32, i32
  }
  func.func @transform_4(%arg0: i32) -> (i32, i32) {
    %c0_i32 = arith.constant 0 : i32
    %c0_i32_0 = arith.constant 0 : i32
    return %arg0, %c0_i32 : i32, i32
  }
  func.func @transform_5(%arg0: i32) -> (i32, i32) {
    %c0_i32 = arith.constant 0 : i32
    %c0_i32_0 = arith.constant 0 : i32
    return %arg0, %c0_i32 : i32, i32
  }
  func.func @transform_6(%arg0: i32) -> (i32, i32) {
    %c0_i32 = arith.constant 0 : i32
    %c0_i32_0 = arith.constant 0 : i32
    return %arg0, %c0_i32 : i32, i32
  }
  func.func @transform_7(%arg0: i32) -> (i32, i32) {
    %c0_i32 = arith.constant 0 : i32
    %c0_i32_0 = arith.constant 0 : i32
    %c0_i32_1 = arith.constant 0 : i32
    return %c0_i32, %c0_i32_0 : i32, i32
  }
  func.func @transform_8(%arg0: i32) -> (i32, i32) {
    %c0_i32 = arith.constant 0 : i32
    %c0_i32_0 = arith.constant 0 : i32
    return %arg0, %c0_i32 : i32, i32
  }
}

</mosaic_0001>

<sc_bundles>
// kernel: kernel.4.cloned.1.call-start
scs
__scs_entry_jumppad:
0x0: {  	(pc) =	sbr.rel $0x88, $3  }
0x1: {  	(tag) =	ssettag $0x0;
	lr =	simm.s32 $0x1  }
0x2: {  	[smem:$0x3F99] =	sst lr;
	_ =	strace $0xD0000000  }
0x3: {  	_ = 	snop  }
0x4: {  	_ = 	snop  }
0x5: {  	_ = 	snop  }
0x6: {  	_ = 	snop  }
0x7: {  	_ = 	snop  }
__scs_overlays_trampoline_lowered:
0x8: {  	[smem:$0x3FA8] =	sst s0  }
0x9: {  	[smem:$0x3FA9] =	sst s1  }
0xa: {  	[smem:$0x3FAA] =	sst s2  }
0xb: {  	[smem:$0x3FAB] =	sst s3  }
0xc: {  	[smem:$0x3FAC] =	sst s4  }
0xd: {  	[smem:$0x3FAD] =	sst s5  }
0xe: {  	[smem:$0x3FAE] =	sst s6  }
0xf: {  	[smem:$0x3FAF] =	sst s7  }
0x10: {  	[smem:$0x3FB0] =	sst s8  }
0x11: {  	[smem:$0x3FB1] =	sst s9;
	s0 =	simm.s32 @!p0 $0x0  }
0x12: {  	s1 =	sld [smem:$0x3F97];
	s0 =	simm.s32 @p0 $0x1  }
0x13: {  	[smem:$0x3FB2] =	sst s0;
	s0 =	simm.s32 @!p1 $0x0  }
0x14: {  	s2 =	sld [smem:$0x3F96];
	s0 =	simm.s32 @p1 $0x1  }
0x15: {  	[smem:$0x3FB3] =	sst s0;
	s0 =	simm.s32 @!p2 $0x0  }
0x16: {  	s3 =	sld [smem:$0x3FDB];
	s0 =	simm.s32 @p2 $0x1  }
0x17: {  	s4 =	simm.s32 $0x1BF5;
	[smem:$0x3FB5] =	sst s0  }
0x18: {  	s0 =	sld [smem:$0x3F98];
	_ =	swait.ge [sflag:s4], $0x0  }
0x19: {  	s7 =	sld [smem:$0x3F99]  }
0x1a: {  	s8 =	sadd.s32 $0xFFFFE003, lr  }
0x1b: {  	s9 =	sadd.s32 $0xFFFFFEF7, lr;
	s5 =	simm.s32 $0xFFFFFFFF;
	p2 =	slt.u32 s8, $0xFFFFF086  }
0x1c: {  	p1 =	slt.u32 s9, $0xF7A;
	s5 =	simm.s32 @!p2 $0x0  }
0x1d: {  	s5 =	simm.s32 @p1 $0x1;
	p0 =	seq.s32 s7, s2  }
0x1e: {  	s7 =	smul.u32 @!p0 $0xF7A, s2;
	p2 =	seq.s32 @!p0 s5, $0x0  }
0x1f: {  	s9 =	smul.u32 $0xF7A, s1;
	s8 =	simm.s32 @!p0 $0x1BF5;
	p2 =	por !p2, p0  }
0x20: {  	[sflag:s8] =	ssyncset.s32 @!p0 $0xFFFFF086;
	s6 =	sadd.s32 @!p0 s3, s7;
	s7 =	simm.s32 @!p0 $0x108  }
0x21: {  	s3 =	sadd.s32 s3, s9;
	s6 =	sadd.s32 @!p0 $0x88, s6;
	s7 =	simm.s32 @p2 $0x1082  }
0x22: {  	[simem:s7], [sflag:s8] =	dma.local @!p0 [hbm:s6], $0xF7A  }
0x23: {  	s9 =	sor.u32 $0xD0000000, s2;
	s6 =	simm.s32 $0x108;
	_ =	swait.ge @!p0 [sflag:s8], $0x0  }
0x24: {  	s3 =	sadd.s32 $0x88, s3;
	s6 =	simm.s32 @!p1 $0x1082;
	[sflag:s4] =	ssyncset.s32 $0xFFFFF086  }
0x25: {  	[simem:s6], [sflag:s4] =	dma.local [hbm:s3], $0xF7A  }
0x26: {  	[smem:$0x3F99] =	sst s1;
	(tag) =	ssettag s2;
	_ =	strace s9  }
0x27: {  	s1 =	sld [smem:$0x3FA9]  }
0x28: {  	s2 =	sld [smem:$0x3FAA]  }
0x29: {  	s4 =	sld [smem:$0x3FAC]  }
0x2a: {  	p0 =	seq.s32 s5, $0x0;
	s5 =	sld [smem:$0x3FAD]  }
0x2b: {  	s6 =	sld [smem:$0x3FAE]  }
0x2c: {  	s7 =	sld [smem:$0x3FAF]  }
0x2d: {  	s3 =	simm.s32 $0x108;
	s8 =	sld [smem:$0x3FB0]  }
0x2e: {  	s3 =	simm.s32 @!p0 $0x1082;
	s9 =	sld [smem:$0x3FB1]  }
0x2f: {  	lr =	sadd.s32 s0, s3;
	s0 =	sld [smem:$0x3FA8]  }
0x30: {  	s3 =	sld [smem:$0x3FAB]  }
0x31: {  	[smem:$0x3FB4] =	sst s10  }
0x32: {  	s10 =	sld [smem:$0x3FB2];
	_ =	sdelay $0x3  }
0x33: {  	p0 =	seq.s32 s10, $0x1;
	s10 =	sld [smem:$0x3FB4];
	_ =	sdelay $0x3  }
0x34: {  	[smem:$0x3FB4] =	sst s10  }
0x35: {  	s10 =	sld [smem:$0x3FB3];
	_ =	sdelay $0x3  }
0x36: {  	p1 =	seq.s32 s10, $0x1;
	s10 =	sld [smem:$0x3FB4];
	_ =	sdelay $0x3  }
0x37: {  	[smem:$0x3FB4] =	sst s10  }
0x38: {  	s10 =	sld [smem:$0x3FB5]  }
0x39: {  	_ = 	snop;
	(pc) =	sbr.ind lr, $3  }
0x3a: {  	_ = 	snop  }
0x3b: {  	_ = 	snop  }
0x3c: {  	p2 =	seq.s32 s10, $0x1;
	s10 =	sld [smem:$0x3FB4]  }
0x3d: {  	_ =	shalt  }
0x3e: {  	_ =	shalt  }
0x3f: {  	_ =	shalt  }
0x40: {  	_ =	shalt  }
0x41: {  	_ =	shalt  }
0x42: {  	_ =	shalt  }
0x43: {  	_ =	shalt  }
0x44: {  	_ =	shalt  }
0x45: {  	_ =	shalt  }
0x46: {  	_ =	shalt  }
0x47: {  	_ =	shalt  }
0x48: {  	_ =	shalt  }
0x49: {  	_ =	shalt  }
0x4a: {  	_ =	shalt  }
0x4b: {  	_ =	shalt  }
0x4c: {  	_ =	shalt  }
0x4d: {  	_ =	shalt  }
0x4e: {  	_ =	shalt  }
0x4f: {  	_ =	shalt  }
0x50: {  	_ =	shalt  }
0x51: {  	_ =	shalt  }
0x52: {  	_ =	shalt  }
0x53: {  	_ =	shalt  }
0x54: {  	_ =	shalt  }
0x55: {  	_ =	shalt  }
0x56: {  	_ =	shalt  }
0x57: {  	_ =	shalt  }
0x58: {  	_ =	shalt  }
0x59: {  	_ =	shalt  }
0x5a: {  	_ =	shalt  }
0x5b: {  	_ =	shalt  }
0x5c: {  	_ =	shalt  }
0x5d: {  	_ =	shalt  }
0x5e: {  	_ =	shalt  }
0x5f: {  	_ =	shalt  }
0x60: {  	_ =	shalt  }
0x61: {  	_ =	shalt  }
0x62: {  	_ =	shalt  }
0x63: {  	_ =	shalt  }
0x64: {  	_ =	shalt  }
0x65: {  	_ =	shalt  }
0x66: {  	_ =	shalt  }
0x67: {  	_ =	shalt  }
0x68: {  	_ =	shalt  }
0x69: {  	_ =	shalt  }
0x6a: {  	_ =	shalt  }
0x6b: {  	_ =	shalt  }
0x6c: {  	_ =	shalt  }
0x6d: {  	_ =	shalt  }
0x6e: {  	_ =	shalt  }
0x6f: {  	_ =	shalt  }
0x70: {  	_ =	shalt  }
0x71: {  	_ =	shalt  }
0x72: {  	_ =	shalt  }
0x73: {  	_ =	shalt  }
0x74: {  	_ =	shalt  }
0x75: {  	_ =	shalt  }
0x76: {  	_ =	shalt  }
0x77: {  	_ =	shalt  }
0x78: {  	_ =	shalt  }
0x79: {  	_ =	shalt  }
0x7a: {  	_ =	shalt  }
0x7b: {  	_ =	shalt  }
0x7c: {  	_ =	shalt  }
0x7d: {  	_ =	shalt  }
0x7e: {  	_ =	shalt  }
0x7f: {  	_ =	shalt  }
0x80: {  	_ =	shalt  }
0x81: {  	_ =	shalt  }
0x82: {  	_ =	shalt  }
0x83: {  	_ =	shalt  }
0x84: {  	_ =	shalt  }
0x85: {  	_ =	shalt  }
0x86: {  	_ =	shalt  }
0x87: {  	_ =	shalt  }
.Lfunc_end0:
.L_simem_size_0:
called_computation.1_lowered:
.L_overlay_start_0:
0x88: {  	s2 =	sld [smem:$0x3FD9]  }
0x89: {  	s3 =	sld [smem:$0x3FFE];
	_ =	sdelay $0x1  }
0x8a: {  	s1 =	srdreg.scid  }
0x8b: {  	s0 =	sand.u32 $0x1, s1  }
0x8c: {  	s17 =	sshll.u32 s0, $0xA;
	s2 =	sadd.s32 s3, s2  }
0x8d: {  	s2 =	sadd.s32 s2, s17  }
0x8e: {  	[smem:$0x3FC0] =	sst s2  }
0x8f: {  	_ = 	snop  }
0x90: {  	s2 =	sld [smem:$0x3FD0];
	(tm) =	ssettm $0x1  }
0x91: {  	s18 =	sld [smem:$0x3FFB];
	_ =	sdelay $0x3  }
0x92: {  	_ =	strace s18  }
0x93: {  	s3 =	sld [smem:$0x3FFC];
	_ =	sdelay $0x3  }
0x94: {  	_ =	strace s3  }
0x95: {  	s3 =	sld [smem:$0x3FFD];
	_ =	sdelay $0x3  }
0x96: {  	_ =	strace s3  }
0x97: {  	_ =	strace $0x8FFFFFFF  }
0x98: {  	s19 =	sld [smem:$0x3FDB];
	_ =	sdelay $0x1  }
0x99: {  	s4 =	simm.s32 $_scs_section_size  }
0x9a: {  	s5 =	simm.s32 $_size__tile_overlayer_lowered;
	s6 =	simm.s32 $_tile_overlayer_lowered  }
0x9b: {  	s22 =	simm.s32 $0x1BFF;
	s21 =	sshll.u32 s6, $0x1;
	s3 =	sadd.s32 s4, s19  }
0x9c: {  	s7 =	simm.s32 $0x0;
	s20 =	sshll.u32 s5, $0x1;
	s5 =	sadd.s32 s21, s3  }
0x9d: {  	[timem:s7], [sflag:s22] =	dma.local [hbm:s5], s20  }
0x9e: {  	_ =	swait.ge [sflag:s22], s20  }
0x9f: {  	s4 =	ssub.s32 $0x0, s20;
	[sflag:s22] =	ssyncset.done $0x0  }
0xa0: {  	[sflag:s22] =	ssyncadd.s32 s4;
	_ =	sdelay $0x1  }
0xa1: {  	s23 =	simm.s32 $0x1B8B  }
0xa2: {  	_ =	swait.ge [sflag:s23], $0x1  }
0xa3: {  	[sflag:s23] =	ssyncset.done $0x0  }
0xa4: {  	s25 =	simm.s32 $0x1B8E;
	s24 =	sld [smem:$0x3FFE];
	[sflag:s23] =	ssyncadd.s32 $0xFFFFFFFF  }
0xa5: {  	s26 =	simm.s32 $execute0_lowered;
	[smem:$0x3FD2] =	sst s25  }
0xa6: {  	s5 =	sshll.u32 s26, $0x1;
	_ =	strace $0x80000049;
	[dreg:$0x1] =	wrdreg $0xFFFFFFFF  }
0xa7: {  	s28 =	simm.s32 $_size_execute0_lowered;
	s3 =	sadd.s32 s3, s5;
	[dreg:$0x0] =	wrdreg $0x0  }
0xa8: {  	s5 =	sshll.u32 s28, $0x1;
	[dreg:$0x2] =	wrdreg s3  }
0xa9: {  	[dreg:$0x3] =	wrdreg s5  }
0xaa: {  	[dreg:$0x4] =	wrdreg $0xC0  }
0xab: {  	_ =	task [dreg:s7], $0x5FFFF  }
0xac: {  	[dreg:$0x1] =	wrdreg $0xFFFFFFFF  }
0xad: {  	[dreg:$0x0] =	wrdreg $0x60  }
0xae: {  	[dreg:$0x2] =	wrdreg s24  }
0xaf: {  	[dreg:$0x3] =	wrdreg s2  }
0xb0: {  	[dreg:$0x4] =	wrdreg $0x9  }
0xb1: {  	_ =	task.clear_ibuf [dreg:s7], $0x5FFFF;
	_ =	strace $0x90000049  }
0xb2: {  	s29 =	simm.s32 $0x9;
	_ =	strace $0x8000004B  }
0xb3: {  	_ =	swait.ge [sflag:s29], $0x1  }
0xb4: {  	[sflag:s29] =	ssyncadd.s32 $0xFFFFFFFF  }
0xb5: {  	_ =	strace $0x9000004B  }
0xb6: {  	_ =	sfence  }
0xb7: {  	s30 =	sld [smem:$0x0];
	_ =	sdelay $0x2  }
0xb8: {  	s31 =	sshll.u32 s1, $0xD;
	s1 =	sshrl.u32 s1, $0x2  }
0xb9: {  	s3 =	sand.u32 $0x4000, s31;
	s1 =	sadd.s32 s1, s30  }
0xba: {  	s0 =	sor.u32 s3, s0;
	s1 =	sshll.u32 s1, $0x11  }
0xbb: {  	s0 =	sor.u32 s1, s0  }
0xbc: {  	s0 =	sadd.s32 $0x8F2B, s0  }
0xbd: {  	[sflag:s0] =	ssyncadd.remote.s32 $0x1  }
0xbe: {  	_ =	sfence.sel $0xFFFF  }
0xbf: {  	[dreg:$0x0] =	wrdreg $0xFFFFFFFF;
	(pc) =	sbr.abs _section_cstart, $3  }
0xc0: {  	[dreg:$0x1] =	wrdreg $0xFFFFFFFF  }
0xc1: {  	_ =	task.clear_ibuf [dreg:s7], $0x2FFFF;
	_ =	strace $0x9FFFFFFF  }
0xc2: {  	(tm) =	ssettm $0x7FFFFFFF  }
0xc3: {  	_ =	shalt  }
tec
execute0_lowered:
.L_overlay_start_1:
0x0: {  	(tag) =	ssettag $0x1  }
0x1: {  	s3 =	rddreg [dreg:$0x0]  }
0x2: {  	s1 =	srdreg.scid;
	s5 =	rddreg [dreg:$0x1]  }
0x3: {  	s2 =	simm.s32 $0x0;
	s4 =	sand.u32 $0x1, s1;
	s1 =	rddreg [dreg:$0x2]  }
0x4: {  	s19 =	simm.s32 $0x480;
	[smem:$0x7FF] =	sst s2  }
0x5: {  	s20 =	simm.s32 $0x880;
	_ =	strace $0x8000004A;
	[dreg:$0x5] =	wrdreg s19  }
0x6: {  	s21 =	simm.s32 $0xC80;
	[dreg:$0x6] =	wrdreg s20  }
0x7: {  	s22 =	simm.s32 $0x1080;
	[dreg:$0x7] =	wrdreg s21  }
0x8: {  	s23 =	simm.s32 $0x1480;
	[dreg:$0x8] =	wrdreg s22  }
0x9: {  	s24 =	simm.s32 $0x1880;
	[dreg:$0x9] =	wrdreg s23  }
0xa: {  	s25 =	simm.s32 $0x100;
	[dreg:$0xa] =	wrdreg s24  }
0xb: {  	s26 =	simm.s32 $0x500;
	[dreg:$0xb] =	wrdreg s25  }
0xc: {  	s28 =	simm.s32 $0x900;
	[dreg:$0xc] =	wrdreg s26  }
0xd: {  	s29 =	simm.s32 $0xD00;
	[dreg:$0xd] =	wrdreg s28  }
0xe: {  	s30 =	simm.s32 $0x1100;
	[dreg:$0xe] =	wrdreg s29  }
0xf: {  	s31 =	simm.s32 $0x1500;
	[dreg:$0xf] =	wrdreg s30  }
0x10: {  	s8 =	simm.s32 $0x580;
	[dreg:$0x10] =	wrdreg s31  }
0x11: {  	s9 =	simm.s32 $0x980;
	[dreg:$0x13] =	wrdreg s8  }
0x12: {  	s10 =	simm.s32 $0xD80;
	[dreg:$0x14] =	wrdreg s9  }
0x13: {  	s11 =	simm.s32 $0x1180;
	[dreg:$0x15] =	wrdreg s10  }
0x14: {  	s12 =	simm.s32 $0x1580;
	[dreg:$0x16] =	wrdreg s11  }
0x15: {  	s13 =	simm.s32 $0x1980;
	[dreg:$0x17] =	wrdreg s12  }
0x16: {  	s14 =	simm.s32 $0x200;
	[dreg:$0x18] =	wrdreg s13  }
0x17: {  	s15 =	simm.s32 $0x600;
	[dreg:$0x19] =	wrdreg s14  }
0x18: {  	s16 =	simm.s32 $0xA00;
	[dreg:$0x1a] =	wrdreg s15  }
0x19: {  	s17 =	simm.s32 $0xE00;
	[dreg:$0x1b] =	wrdreg s16  }
0x1a: {  	s18 =	simm.s32 $0x1200;
	[dreg:$0x1c] =	wrdreg s17  }
0x1b: {  	[dreg:$0x1d] =	wrdreg s18;
	s19 =	simm.s32 $0x1600  }
0x1c: {  	s20 =	simm.s32 $0x1A00;
	[dreg:$0x1e] =	wrdreg s19  }
0x1d: {  	s21 =	simm.s32 $0x280;
	[dreg:$0x1f] =	wrdreg s20  }
0x1e: {  	s22 =	simm.s32 $0x680;
	[smem:$0x7AA] =	sst s21  }
0x1f: {  	s23 =	simm.s32 $0xA80;
	[smem:$0x7AB] =	sst s22  }
0x20: {  	s24 =	simm.s32 $0xE80;
	[smem:$0x7AC] =	sst s23  }
0x21: {  	s25 =	simm.s32 $0x1280;
	[smem:$0x7AD] =	sst s24  }
0x22: {  	s26 =	simm.s32 $0x1680;
	[smem:$0x7AE] =	sst s25  }
0x23: {  	s28 =	simm.s32 $0x1A80;
	[smem:$0x7AF] =	sst s26  }
0x24: {  	s29 =	simm.s32 $0x300;
	[smem:$0x7B0] =	sst s28  }
0x25: {  	s30 =	simm.s32 $0x700;
	[smem:$0x7B1] =	sst s29  }
0x26: {  	s31 =	simm.s32 $0xB00;
	[smem:$0x7B2] =	sst s30  }
0x27: {  	s8 =	simm.s32 $0x1700;
	[smem:$0x7B3] =	sst s31  }
0x28: {  	s9 =	simm.s32 $0x1B00;
	[smem:$0x7B6] =	sst s8  }
0x29: {  	s10 =	simm.s32 $0x380;
	[smem:$0x7B7] =	sst s9  }
0x2a: {  	s11 =	simm.s32 $0x780;
	[smem:$0x7B8] =	sst s10  }
0x2b: {  	s12 =	simm.s32 $0xB80;
	[smem:$0x7B9] =	sst s11  }
0x2c: {  	s13 =	simm.s32 $0xF80;
	[smem:$0x7BA] =	sst s12  }
0x2d: {  	s14 =	simm.s32 $0x1380;
	[smem:$0x7BB] =	sst s13  }
0x2e: {  	s15 =	simm.s32 $0x1780;
	[smem:$0x7BC] =	sst s14  }
0x2f: {  	s16 =	simm.s32 $0x1B80;
	[smem:$0x7BD] =	sst s15  }
0x30: {  	s17 =	simm.s32 $0x400;
	[smem:$0x7BE] =	sst s16  }
0x31: {  	s18 =	simm.s32 $0x800;
	[smem:$0x7BF] =	sst s17  }
0x32: {  	[smem:$0x7C0] =	sst s18;
	s19 =	simm.s32 $0xC00  }
0x33: {  	s20 =	simm.s32 $0x1000;
	[smem:$0x7C1] =	sst s19  }
0x34: {  	s21 =	simm.s32 $0x1400;
	[smem:$0x7C2] =	sst s20  }
0x35: {  	s22 =	simm.s32 $0x1800;
	[smem:$0x7C3] =	sst s21  }
0x36: {  	s23 =	simm.s32 $0x1C00;
	[smem:$0x7C4] =	sst s22  }
0x37: {  	s24 =	simm.s32 $0x1C80;
	[smem:$0x7C5] =	sst s23  }
0x38: {  	s25 =	simm.s32 $0x2080;
	[smem:$0x7C6] =	sst s24  }
0x39: {  	s26 =	simm.s32 $0x2480;
	[smem:$0x7C7] =	sst s25  }
0x3a: {  	s28 =	simm.s32 $0x2880;
	[smem:$0x7C8] =	sst s26  }
0x3b: {  	s29 =	simm.s32 $0x2C80;
	[smem:$0x7C9] =	sst s28  }
0x3c: {  	s30 =	simm.s32 $0x3080;
	[smem:$0x7CA] =	sst s29  }
0x3d: {  	s31 =	simm.s32 $0x3480;
	[smem:$0x7CB] =	sst s30  }
0x3e: {  	s8 =	simm.s32 $0x2500;
	[smem:$0x7CC] =	sst s31  }
0x3f: {  	s9 =	simm.s32 $0x2900;
	[smem:$0x7CF] =	sst s8  }
0x40: {  	s10 =	simm.s32 $0x2D00;
	[smem:$0x7D0] =	sst s9  }
0x41: {  	s11 =	simm.s32 $0x3100;
	[smem:$0x7D1] =	sst s10  }
0x42: {  	s12 =	simm.s32 $0x3500;
	[smem:$0x7D2] =	sst s11  }
0x43: {  	s13 =	simm.s32 $0x1D80;
	[smem:$0x7D3] =	sst s12  }
0x44: {  	s14 =	simm.s32 $0x2180;
	[smem:$0x7D4] =	sst s13  }
0x45: {  	s0 =	stileid.u32;
	s15 =	simm.s32 $0x2580;
	[smem:$0x7D5] =	sst s14  }
0x46: {  	s6 =	sshll.u32 s0, $0x2;
	s16 =	simm.s32 $0x2980;
	[smem:$0x7D6] =	sst s15  }
0x47: {  	s7 =	sshll.u32 s4, $0x1;
	s17 =	simm.s32 $0x2D80;
	[smem:$0x7D7] =	sst s16  }
0x48: {  	s6 =	sor.u32 s7, s6;
	s18 =	simm.s32 $0x3180;
	[smem:$0x7D8] =	sst s17  }
0x49: {  	s7 =	smul.u32 $0x380, s6;
	s6 =	sadd.s32 s3, s6;
	[smem:$0x7D9] =	sst s18  }
0x4a: {  	s19 =	simm.s32 $0x3580;
	[dreg:$0x3] =	wrdreg s6  }
0x4b: {  	s20 =	simm.s32 $0x1E00;
	[smem:$0x7DA] =	sst s19  }
0x4c: {  	s21 =	simm.s32 $0x2200;
	[smem:$0x7DB] =	sst s20  }
0x4d: {  	s22 =	simm.s32 $0x2600;
	[smem:$0x7DC] =	sst s21  }
0x4e: {  	s23 =	simm.s32 $0x2A00;
	[smem:$0x7DD] =	sst s22  }
0x4f: {  	s24 =	simm.s32 $0x2E00;
	[smem:$0x7DE] =	sst s23  }
0x50: {  	s25 =	simm.s32 $0x3200;
	[smem:$0x7DF] =	sst s24  }
0x51: {  	s26 =	simm.s32 $0x3600;
	[smem:$0x7E0] =	sst s25  }
0x52: {  	s28 =	simm.s32 $0x1E80;
	[smem:$0x7E1] =	sst s26  }
0x53: {  	s29 =	simm.s32 $0x2280;
	[smem:$0x7E2] =	sst s28  }
0x54: {  	s30 =	simm.s32 $0x2680;
	[smem:$0x7E3] =	sst s29  }
0x55: {  	s31 =	simm.s32 $0x2A80;
	[smem:$0x7E4] =	sst s30  }
0x56: {  	s8 =	simm.s32 $0x3680;
	[smem:$0x7E5] =	sst s31  }
0x57: {  	s9 =	simm.s32 $0x1F00;
	[smem:$0x7E8] =	sst s8  }
0x58: {  	s10 =	simm.s32 $0x2300;
	[smem:$0x7E9] =	sst s9  }
0x59: {  	s11 =	simm.s32 $0x2700;
	[smem:$0x7EA] =	sst s10  }
0x5a: {  	s12 =	simm.s32 $0x2B00;
	[smem:$0x7EB] =	sst s11  }
0x5b: {  	s13 =	simm.s32 $0x2F00;
	[smem:$0x7EC] =	sst s12  }
0x5c: {  	s14 =	simm.s32 $0x3300;
	[smem:$0x7ED] =	sst s13  }
0x5d: {  	s15 =	simm.s32 $0x3700;
	[smem:$0x7EE] =	sst s14  }
0x5e: {  	s16 =	simm.s32 $0x1F80;
	[smem:$0x7EF] =	sst s15  }
0x5f: {  	s17 =	simm.s32 $0x2380;
	[smem:$0x7F0] =	sst s16  }
0x60: {  	s18 =	simm.s32 $0x2780;
	[smem:$0x7F1] =	sst s17  }
0x61: {  	s6 =	simm.s32 $0x1900;
	[smem:$0x7F2] =	sst s18  }
0x62: {  	s19 =	simm.s32 $0x2B80;
	[dreg:$0x11] =	wrdreg s6  }
0x63: {  	s20 =	simm.s32 $0x2F80;
	[smem:$0x7F3] =	sst s19  }
0x64: {  	s21 =	simm.s32 $0x3380;
	[smem:$0x7F4] =	sst s20  }
0x65: {  	s22 =	simm.s32 $0x3780;
	[smem:$0x7F5] =	sst s21  }
0x66: {  	s23 =	simm.s32 $0x2000;
	[smem:$0x7F6] =	sst s22  }
0x67: {  	s24 =	simm.s32 $0x2400;
	[smem:$0x7F7] =	sst s23  }
0x68: {  	s25 =	simm.s32 $0x2800;
	[smem:$0x7F8] =	sst s24  }
0x69: {  	s28 =	simm.s32 $0x2C00;
	[smem:$0x7F9] =	sst s25  }
0x6a: {  	s29 =	simm.s32 $0x3000;
	[smem:$0x7FA] =	sst s28  }
0x6b: {  	s30 =	simm.s32 $0x3400;
	[smem:$0x7FB] =	sst s29  }
0x6c: {  	s31 =	simm.s32 $0x3800;
	[smem:$0x7FC] =	sst s30  }
0x6d: {  	s5 =	sadd.s32 s5, s7;
	[smem:$0x7FD] =	sst s31  }
0x6e: {  	s7 =	simm.s32 $0x180;
	[dreg:$0x4] =	wrdreg s5  }
0x6f: {  	s4 =	ssub.s32 $0x2, s4;
	s6 =	simm.s32 $0xF00;
	[dreg:$0x12] =	wrdreg s7  }
0x70: {  	s3 =	sadd.s32 $0x61AA00, s3;
	[smem:$0x7B4] =	sst s6;
	s7 =	simm.s32 $0x1300  }
0x71: {  	s26 =	sshrl.u32 s4, $0x1;
	s6 =	simm.s32 $0x1D00;
	[smem:$0x7B5] =	sst s7  }
0x72: {  	s4 =	ssub.s32 s4, s26;
	[smem:$0x7CD] =	sst s6;
	s7 =	simm.s32 $0x2100  }
0x73: {  	s4 =	smax.u32 s4, $0x1;
	s6 =	simm.s32 $0x2E80;
	[smem:$0x7CE] =	sst s7  }
0x74: {  	s5 =	simm.s32 $0x2;
	[smem:$0x7E6] =	sst s6;
	s7 =	simm.s32 $0x3280  }
0x75: {  	s6 =	simm.s32 $0x80;
	[smem:$0x7E7] =	sst s7;
	s7 =	simm.s32 $0x1  }
.LBB2_1:
0x76: {  	s8 =	rddreg [dreg:$0x3]  }
0x77: {  	[tilespmem:s2], [sflag:$0x2] =	stream.linear.gather [hbm4b:s8+s2], $0x10, $0x38;
	[tilespmem:$0x3880] =	vst v63  }
0x78: {  	_ =	swait.ge [sflag:s5], $0x10  }
0x79: {  	[sflag:s5] =	ssyncset.done $0x0  }
0x7a: {  	s10 =	rddreg [dreg:$0x4];
	[sflag:s5] =	ssyncadd.s32 $0xFFFFFFF0  }
0x7b: {  	[tilespmem:s6], [sflag:$0x2] =	stream.linear.gather [hbm4b:s10+s2], $0x3800, $0x38;
	[tilespmem:$0x3880] =	vst v63  }
0x7c: {  	_ =	swait.ge [sflag:s5], $0x3800  }
0x7d: {  	[sflag:s5] =	ssyncset.done $0x0  }
0x7e: {  	[sflag:s5] =	ssyncadd.s32 $0xFFFFC800  }
0x7f: {  	v0 =	vld [tilespmem:$0x0];
	_ =	sdelay $0x4  }
0x80: {  	(v2sf) =	vpush v0, $0x0;
	_ =	sdelay $0xe  }
0x81: {  	s11 =	spop (v2sf)  }
0x82: {  	(v2sf) =	vpush v0, $0x1;
	s9 =	sshrl.u32 s11, $0x3  }
0x83: {  	s8 =	sshll.u32 s11, $0x7;
	s9 =	smul.u32 $0x1C00, s9  }
0x84: {  	s8 =	sand.u32 $0x380, s8  }
0x85: {  	s8 =	sor.u32 s8, s9  }
0x86: {  	s8 =	sshrl.u32 s8, $0x3  }
0x87: {  	s8 =	sadd.s32 s3, s8  }
0x88: {  	[hbm4b:s8+s2] =	stream.linear.scatter [tilespmem:s6], [sflag:$0x1], $0x80, $0x38;
	[tilespmem:$0x3880] =	vst v63  }
0x89: {  	s12 =	rddreg [dreg:$0x5];
	s10 =	sadd.s32 $0x80, s8  }
0x8a: {  	[hbm4b:s10+s2] =	stream.linear.scatter [tilespmem:s12], [sflag:$0x1], $0x80, $0x38;
	[tilespmem:$0x3880] =	vst v63  }
0x8b: {  	s11 =	rddreg [dreg:$0x6];
	s13 =	sadd.s32 $0x100, s8  }
0x8c: {  	[hbm4b:s13+s2] =	stream.linear.scatter [tilespmem:s11], [sflag:$0x1], $0x80, $0x38;
	[tilespmem:$0x3880] =	vst v63  }
0x8d: {  	s14 =	rddreg [dreg:$0x7];
	s15 =	sadd.s32 $0x180, s8  }
0x8e: {  	[hbm4b:s15+s2] =	stream.linear.scatter [tilespmem:s14], [sflag:$0x1], $0x80, $0x38;
	[tilespmem:$0x3880] =	vst v63  }
0x8f: {  	s16 =	rddreg [dreg:$0x8];
	s17 =	sadd.s32 $0x200, s8  }
0x90: {  	[hbm4b:s17+s2] =	stream.linear.scatter [tilespmem:s16], [sflag:$0x1], $0x80, $0x38;
	[tilespmem:$0x3880] =	vst v63  }
0x91: {  	s18 =	rddreg [dreg:$0x9];
	s19 =	sadd.s32 $0x280, s8;
	s21 =	spop (v2sf)  }
0x92: {  	[hbm4b:s19+s2] =	stream.linear.scatter [tilespmem:s18], [sflag:$0x1], $0x80, $0x38;
	[tilespmem:$0x3880] =	vst v63  }
0x93: {  	s20 =	rddreg [dreg:$0xa];
	s8 =	sadd.s32 $0x300, s8;
	s22 =	sshrl.u32 s21, $0x3  }
0x94: {  	(v2sf) =	vpush v0, $0x2;
	[hbm4b:s8+s2] =	stream.linear.scatter [tilespmem:s20], [sflag:$0x1], $0x80, $0x38;
	[tilespmem:$0x3880] =	vst v63  }
0x95: {  	s9 =	smul.u32 $0x1C00, s22;
	s8 =	sshll.u32 s21, $0x7  }
0x96: {  	s8 =	sand.u32 $0x380, s8  }
0x97: {  	s8 =	sor.u32 s8, s9  }
0x98: {  	s8 =	sshrl.u32 s8, $0x3  }
0x99: {  	s23 =	rddreg [dreg:$0xb];
	s8 =	sadd.s32 s3, s8  }
0x9a: {  	[hbm4b:s8+s2] =	stream.linear.scatter [tilespmem:s23], [sflag:$0x1], $0x80, $0x38;
	[tilespmem:$0x3880] =	vst v63  }
0x9b: {  	s24 =	rddreg [dreg:$0xc];
	s25 =	sadd.s32 $0x80, s8  }
0x9c: {  	[hbm4b:s25+s2] =	stream.linear.scatter [tilespmem:s24], [sflag:$0x1], $0x80, $0x38;
	[tilespmem:$0x3880] =	vst v63  }
0x9d: {  	s26 =	rddreg [dreg:$0xd];
	s28 =	sadd.s32 $0x100, s8  }
0x9e: {  	[hbm4b:s28+s2] =	stream.linear.scatter [tilespmem:s26], [sflag:$0x1], $0x80, $0x38;
	[tilespmem:$0x3880] =	vst v63  }
0x9f: {  	s29 =	rddreg [dreg:$0xe];
	s30 =	sadd.s32 $0x180, s8  }
0xa0: {  	[hbm4b:s30+s2] =	stream.linear.scatter [tilespmem:s29], [sflag:$0x1], $0x80, $0x38;
	[tilespmem:$0x3880] =	vst v63  }
0xa1: {  	s31 =	rddreg [dreg:$0xf];
	s12 =	sadd.s32 $0x200, s8  }
0xa2: {  	[hbm4b:s12+s2] =	stream.linear.scatter [tilespmem:s31], [sflag:$0x1], $0x80, $0x38;
	[tilespmem:$0x3880] =	vst v63  }
0xa3: {  	s13 =	rddreg [dreg:$0x10];
	s14 =	sadd.s32 $0x280, s8;
	s16 =	spop (v2sf)  }
0xa4: {  	[hbm4b:s14+s2] =	stream.linear.scatter [tilespmem:s13], [sflag:$0x1], $0x80, $0x38;
	[tilespmem:$0x3880] =	vst v63  }
0xa5: {  	s15 =	rddreg [dreg:$0x11];
	s8 =	sadd.s32 $0x300, s8;
	s17 =	sshrl.u32 s16, $0x3  }
0xa6: {  	(v2sf) =	vpush v0, $0x3;
	[hbm4b:s8+s2] =	stream.linear.scatter [tilespmem:s15], [sflag:$0x1], $0x80, $0x38;
	[tilespmem:$0x3880] =	vst v63  }
0xa7: {  	s9 =	smul.u32 $0x1C00, s17;
	s8 =	sshll.u32 s16, $0x7  }
0xa8: {  	s8 =	sand.u32 $0x380, s8  }
0xa9: {  	s8 =	sor.u32 s8, s9  }
0xaa: {  	s8 =	sshrl.u32 s8, $0x3  }
0xab: {  	s18 =	rddreg [dreg:$0x12];
	s8 =	sadd.s32 s3, s8  }
0xac: {  	[hbm4b:s8+s2] =	stream.linear.scatter [tilespmem:s18], [sflag:$0x1], $0x80, $0x38;
	[tilespmem:$0x3880] =	vst v63  }
0xad: {  	s19 =	rddreg [dreg:$0x13];
	s20 =	sadd.s32 $0x80, s8  }
0xae: {  	[hbm4b:s20+s2] =	stream.linear.scatter [tilespmem:s19], [sflag:$0x1], $0x80, $0x38;
	[tilespmem:$0x3880] =	vst v63  }
0xaf: {  	s21 =	rddreg [dreg:$0x14];
	s22 =	sadd.s32 $0x100, s8  }
0xb0: {  	[hbm4b:s22+s2] =	stream.linear.scatter [tilespmem:s21], [sflag:$0x1], $0x80, $0x38;
	[tilespmem:$0x3880] =	vst v63  }
0xb1: {  	s23 =	rddreg [dreg:$0x15];
	s24 =	sadd.s32 $0x180, s8  }
0xb2: {  	[hbm4b:s24+s2] =	stream.linear.scatter [tilespmem:s23], [sflag:$0x1], $0x80, $0x38;
	[tilespmem:$0x3880] =	vst v63  }
0xb3: {  	s25 =	rddreg [dreg:$0x16];
	s26 =	sadd.s32 $0x200, s8  }
0xb4: {  	[hbm4b:s26+s2] =	stream.linear.scatter [tilespmem:s25], [sflag:$0x1], $0x80, $0x38;
	[tilespmem:$0x3880] =	vst v63  }
0xb5: {  	s28 =	rddreg [dreg:$0x17];
	s29 =	sadd.s32 $0x280, s8;
	s31 =	spop (v2sf)  }
0xb6: {  	[hbm4b:s29+s2] =	stream.linear.scatter [tilespmem:s28], [sflag:$0x1], $0x80, $0x38;
	[tilespmem:$0x3880] =	vst v63  }
0xb7: {  	s30 =	rddreg [dreg:$0x18];
	s8 =	sadd.s32 $0x300, s8;
	s10 =	sshrl.u32 s31, $0x3  }
0xb8: {  	(v2sf) =	vpush v0, $0x4;
	[hbm4b:s8+s2] =	stream.linear.scatter [tilespmem:s30], [sflag:$0x1], $0x80, $0x38;
	[tilespmem:$0x3880] =	vst v63  }
0xb9: {  	s9 =	smul.u32 $0x1C00, s10;
	s8 =	sshll.u32 s31, $0x7  }
0xba: {  	s8 =	sand.u32 $0x380, s8  }
0xbb: {  	s8 =	sor.u32 s8, s9  }
0xbc: {  	s8 =	sshrl.u32 s8, $0x3  }
0xbd: {  	s11 =	rddreg [dreg:$0x19];
	s8 =	sadd.s32 s3, s8  }
0xbe: {  	[hbm4b:s8+s2] =	stream.linear.scatter [tilespmem:s11], [sflag:$0x1], $0x80, $0x38;
	[tilespmem:$0x3880] =	vst v63  }
0xbf: {  	s12 =	rddreg [dreg:$0x1a];
	s13 =	sadd.s32 $0x80, s8  }
0xc0: {  	[hbm4b:s13+s2] =	stream.linear.scatter [tilespmem:s12], [sflag:$0x1], $0x80, $0x38;
	[tilespmem:$0x3880] =	vst v63  }
0xc1: {  	s14 =	rddreg [dreg:$0x1b];
	s15 =	sadd.s32 $0x100, s8  }
0xc2: {  	[hbm4b:s15+s2] =	stream.linear.scatter [tilespmem:s14], [sflag:$0x1], $0x80, $0x38;
	[tilespmem:$0x3880] =	vst v63  }
0xc3: {  	s16 =	rddreg [dreg:$0x1c];
	s17 =	sadd.s32 $0x180, s8  }
0xc4: {  	[hbm4b:s17+s2] =	stream.linear.scatter [tilespmem:s16], [sflag:$0x1], $0x80, $0x38;
	[tilespmem:$0x3880] =	vst v63  }
0xc5: {  	s18 =	rddreg [dreg:$0x1d];
	s19 =	sadd.s32 $0x200, s8  }
0xc6: {  	[hbm4b:s19+s2] =	stream.linear.scatter [tilespmem:s18], [sflag:$0x1], $0x80, $0x38;
	[tilespmem:$0x3880] =	vst v63  }
0xc7: {  	s20 =	rddreg [dreg:$0x1e];
	s21 =	sadd.s32 $0x280, s8;
	s23 =	spop (v2sf)  }
0xc8: {  	[hbm4b:s21+s2] =	stream.linear.scatter [tilespmem:s20], [sflag:$0x1], $0x80, $0x38;
	[tilespmem:$0x3880] =	vst v63  }
0xc9: {  	s22 =	rddreg [dreg:$0x1f];
	s8 =	sadd.s32 $0x300, s8;
	s24 =	sshrl.u32 s23, $0x3  }
0xca: {  	(v2sf) =	vpush v0, $0x5;
	[hbm4b:s8+s2] =	stream.linear.scatter [tilespmem:s22], [sflag:$0x1], $0x80, $0x38;
	[tilespmem:$0x3880] =	vst v63  }
0xcb: {  	s9 =	smul.u32 $0x1C00, s24;
	s8 =	sshll.u32 s23, $0x7  }
0xcc: {  	s8 =	sand.u32 $0x380, s8  }
0xcd: {  	s25 =	sld [smem:$0x7AA];
	s8 =	sor.u32 s8, s9  }
0xce: {  	s8 =	sshrl.u32 s8, $0x3  }
0xcf: {  	s26 =	sld [smem:$0x7AB];
	s8 =	sadd.s32 s3, s8  }
0xd0: {  	[hbm4b:s8+s2] =	stream.linear.scatter [tilespmem:s25], [sflag:$0x1], $0x80, $0x38;
	[tilespmem:$0x3880] =	vst v63  }
0xd1: {  	s29 =	sld [smem:$0x7AC];
	s28 =	sadd.s32 $0x80, s8  }
0xd2: {  	[hbm4b:s28+s2] =	stream.linear.scatter [tilespmem:s26], [sflag:$0x1], $0x80, $0x38;
	[tilespmem:$0x3880] =	vst v63  }
0xd3: {  	s31 =	sld [smem:$0x7AD];
	s30 =	sadd.s32 $0x100, s8  }
0xd4: {  	[hbm4b:s30+s2] =	stream.linear.scatter [tilespmem:s29], [sflag:$0x1], $0x80, $0x38;
	[tilespmem:$0x3880] =	vst v63  }
0xd5: {  	s12 =	sld [smem:$0x7AE];
	s11 =	sadd.s32 $0x180, s8  }
0xd6: {  	[hbm4b:s11+s2] =	stream.linear.scatter [tilespmem:s31], [sflag:$0x1], $0x80, $0x38;
	[tilespmem:$0x3880] =	vst v63  }
0xd7: {  	s14 =	sld [smem:$0x7AF];
	s13 =	sadd.s32 $0x200, s8  }
0xd8: {  	[hbm4b:s13+s2] =	stream.linear.scatter [tilespmem:s12], [sflag:$0x1], $0x80, $0x38;
	[tilespmem:$0x3880] =	vst v63  }
0xd9: {  	s16 =	sld [smem:$0x7B0];
	s15 =	sadd.s32 $0x280, s8;
	s17 =	spop (v2sf)  }
0xda: {  	[hbm4b:s15+s2] =	stream.linear.scatter [tilespmem:s14], [sflag:$0x1], $0x80, $0x38;
	[tilespmem:$0x3880] =	vst v63  }
0xdb: {  	s8 =	sadd.s32 $0x300, s8;
	s18 =	sshrl.u32 s17, $0x3  }
0xdc: {  	(v2sf) =	vpush v0, $0x6;
	[hbm4b:s8+s2] =	stream.linear.scatter [tilespmem:s16], [sflag:$0x1], $0x80, $0x38;
	[tilespmem:$0x3880] =	vst v63  }
0xdd: {  	s9 =	smul.u32 $0x1C00, s18;
	s8 =	sshll.u32 s17, $0x7  }
0xde: {  	s8 =	sand.u32 $0x380, s8  }
0xdf: {  	s19 =	sld [smem:$0x7B1];
	s8 =	sor.u32 s8, s9  }
0xe0: {  	s8 =	sshrl.u32 s8, $0x3  }
0xe1: {  	s20 =	sld [smem:$0x7B2];
	s8 =	sadd.s32 s3, s8  }
0xe2: {  	[hbm4b:s8+s2] =	stream.linear.scatter [tilespmem:s19], [sflag:$0x1], $0x80, $0x38;
	[tilespmem:$0x3880] =	vst v63  }
0xe3: {  	s22 =	sld [smem:$0x7B3];
	s21 =	sadd.s32 $0x80, s8  }
0xe4: {  	[hbm4b:s21+s2] =	stream.linear.scatter [tilespmem:s20], [sflag:$0x1], $0x80, $0x38;
	[tilespmem:$0x3880] =	vst v63  }
0xe5: {  	s24 =	sld [smem:$0x7B4];
	s23 =	sadd.s32 $0x100, s8  }
0xe6: {  	[hbm4b:s23+s2] =	stream.linear.scatter [tilespmem:s22], [sflag:$0x1], $0x80, $0x38;
	[tilespmem:$0x3880] =	vst v63  }
0xe7: {  	s26 =	sld [smem:$0x7B5];
	s25 =	sadd.s32 $0x180, s8  }
0xe8: {  	[hbm4b:s25+s2] =	stream.linear.scatter [tilespmem:s24], [sflag:$0x1], $0x80, $0x38;
	[tilespmem:$0x3880] =	vst v63  }
0xe9: {  	s29 =	sld [smem:$0x7B6];
	s28 =	sadd.s32 $0x200, s8  }
0xea: {  	[hbm4b:s28+s2] =	stream.linear.scatter [tilespmem:s26], [sflag:$0x1], $0x80, $0x38;
	[tilespmem:$0x3880] =	vst v63  }
0xeb: {  	s31 =	sld [smem:$0x7B7];
	s11 =	spop (v2sf);
	s30 =	sadd.s32 $0x280, s8  }
0xec: {  	[hbm4b:s30+s2] =	stream.linear.scatter [tilespmem:s29], [sflag:$0x1], $0x80, $0x38;
	[tilespmem:$0x3880] =	vst v63  }
0xed: {  	s12 =	sshrl.u32 s11, $0x3;
	s8 =	sadd.s32 $0x300, s8  }
0xee: {  	(v2sf) =	vpush v0, $0x7;
	[hbm4b:s8+s2] =	stream.linear.scatter [tilespmem:s31], [sflag:$0x1], $0x80, $0x38;
	[tilespmem:$0x3880] =	vst v63  }
0xef: {  	s9 =	smul.u32 $0x1C00, s12;
	s8 =	sshll.u32 s11, $0x7  }
0xf0: {  	s8 =	sand.u32 $0x380, s8  }
0xf1: {  	s13 =	sld [smem:$0x7B8];
	s8 =	sor.u32 s8, s9  }
0xf2: {  	s8 =	sshrl.u32 s8, $0x3  }
0xf3: {  	s14 =	sld [smem:$0x7B9];
	s8 =	sadd.s32 s3, s8  }
0xf4: {  	[hbm4b:s8+s2] =	stream.linear.scatter [tilespmem:s13], [sflag:$0x1], $0x80, $0x38;
	[tilespmem:$0x3880] =	vst v63  }
0xf5: {  	s16 =	sld [smem:$0x7BA];
	s15 =	sadd.s32 $0x80, s8  }
0xf6: {  	[hbm4b:s15+s2] =	stream.linear.scatter [tilespmem:s14], [sflag:$0x1], $0x80, $0x38;
	[tilespmem:$0x3880] =	vst v63  }
0xf7: {  	s18 =	sld [smem:$0x7BB];
	s17 =	sadd.s32 $0x100, s8  }
0xf8: {  	[hbm4b:s17+s2] =	stream.linear.scatter [tilespmem:s16], [sflag:$0x1], $0x80, $0x38;
	[tilespmem:$0x3880] =	vst v63  }
0xf9: {  	s20 =	sld [smem:$0x7BC];
	s19 =	sadd.s32 $0x180, s8  }
0xfa: {  	[hbm4b:s19+s2] =	stream.linear.scatter [tilespmem:s18], [sflag:$0x1], $0x80, $0x38;
	[tilespmem:$0x3880] =	vst v63  }
0xfb: {  	s22 =	sld [smem:$0x7BD];
	s21 =	sadd.s32 $0x200, s8  }
0xfc: {  	[hbm4b:s21+s2] =	stream.linear.scatter [tilespmem:s20], [sflag:$0x1], $0x80, $0x38;
	[tilespmem:$0x3880] =	vst v63  }
0xfd: {  	s24 =	sld [smem:$0x7BE];
	s25 =	spop (v2sf);
	s23 =	sadd.s32 $0x280, s8  }
0xfe: {  	[hbm4b:s23+s2] =	stream.linear.scatter [tilespmem:s22], [sflag:$0x1], $0x80, $0x38;
	[tilespmem:$0x3880] =	vst v63  }
0xff: {  	s26 =	sshrl.u32 s25, $0x3;
	s8 =	sadd.s32 $0x300, s8  }
0x100: {  	(v2sf) =	vpush v0, $0x8;
	[hbm4b:s8+s2] =	stream.linear.scatter [tilespmem:s24], [sflag:$0x1], $0x80, $0x38;
	[tilespmem:$0x3880] =	vst v63  }
0x101: {  	s9 =	smul.u32 $0x1C00, s26;
	s8 =	sshll.u32 s25, $0x7  }
0x102: {  	s8 =	sand.u32 $0x380, s8  }
0x103: {  	s28 =	sld [smem:$0x7BF];
	s8 =	sor.u32 s8, s9  }
0x104: {  	s8 =	sshrl.u32 s8, $0x3  }
0x105: {  	s29 =	sld [smem:$0x7C0];
	s8 =	sadd.s32 s3, s8  }
0x106: {  	[hbm4b:s8+s2] =	stream.linear.scatter [tilespmem:s28], [sflag:$0x1], $0x80, $0x38;
	[tilespmem:$0x3880] =	vst v63  }
0x107: {  	s31 =	sld [smem:$0x7C1];
	s30 =	sadd.s32 $0x80, s8  }
0x108: {  	[hbm4b:s30+s2] =	stream.linear.scatter [tilespmem:s29], [sflag:$0x1], $0x80, $0x38;
	[tilespmem:$0x3880] =	vst v63  }
0x109: {  	s12 =	sld [smem:$0x7C2];
	s10 =	sadd.s32 $0x100, s8  }
0x10a: {  	[hbm4b:s10+s2] =	stream.linear.scatter [tilespmem:s31], [sflag:$0x1], $0x80, $0x38;
	[tilespmem:$0x3880] =	vst v63  }
0x10b: {  	s14 =	sld [smem:$0x7C3];
	s13 =	sadd.s32 $0x180, s8  }
0x10c: {  	[hbm4b:s13+s2] =	stream.linear.scatter [tilespmem:s12], [sflag:$0x1], $0x80, $0x38;
	[tilespmem:$0x3880] =	vst v63  }
0x10d: {  	s16 =	sld [smem:$0x7C4];
	s15 =	sadd.s32 $0x200, s8  }
0x10e: {  	[hbm4b:s15+s2] =	stream.linear.scatter [tilespmem:s14], [sflag:$0x1], $0x80, $0x38;
	[tilespmem:$0x3880] =	vst v63  }
0x10f: {  	s18 =	sld [smem:$0x7C5];
	s19 =	spop (v2sf);
	s17 =	sadd.s32 $0x280, s8  }
0x110: {  	[hbm4b:s17+s2] =	stream.linear.scatter [tilespmem:s16], [sflag:$0x1], $0x80, $0x38;
	[tilespmem:$0x3880] =	vst v63  }
0x111: {  	s20 =	sshrl.u32 s19, $0x3;
	s8 =	sadd.s32 $0x300, s8  }
0x112: {  	(v2sf) =	vpush v0, $0x9;
	[hbm4b:s8+s2] =	stream.linear.scatter [tilespmem:s18], [sflag:$0x1], $0x80, $0x38;
	[tilespmem:$0x3880] =	vst v63  }
0x113: {  	s9 =	smul.u32 $0x1C00, s20;
	s8 =	sshll.u32 s19, $0x7  }
0x114: {  	s8 =	sand.u32 $0x380, s8  }
0x115: {  	s21 =	sld [smem:$0x7C6];
	s8 =	sor.u32 s8, s9  }
0x116: {  	s8 =	sshrl.u32 s8, $0x3  }
0x117: {  	s22 =	sld [smem:$0x7C7];
	s8 =	sadd.s32 s3, s8  }
0x118: {  	[hbm4b:s8+s2] =	stream.linear.scatter [tilespmem:s21], [sflag:$0x1], $0x80, $0x38;
	[tilespmem:$0x3880] =	vst v63  }
0x119: {  	s24 =	sld [smem:$0x7C8];
	s23 =	sadd.s32 $0x80, s8  }
0x11a: {  	[hbm4b:s23+s2] =	stream.linear.scatter [tilespmem:s22], [sflag:$0x1], $0x80, $0x38;
	[tilespmem:$0x3880] =	vst v63  }
0x11b: {  	s26 =	sld [smem:$0x7C9];
	s25 =	sadd.s32 $0x100, s8  }
0x11c: {  	[hbm4b:s25+s2] =	stream.linear.scatter [tilespmem:s24], [sflag:$0x1], $0x80, $0x38;
	[tilespmem:$0x3880] =	vst v63  }
0x11d: {  	s29 =	sld [smem:$0x7CA];
	s28 =	sadd.s32 $0x180, s8  }
0x11e: {  	[hbm4b:s28+s2] =	stream.linear.scatter [tilespmem:s26], [sflag:$0x1], $0x80, $0x38;
	[tilespmem:$0x3880] =	vst v63  }
0x11f: {  	s31 =	sld [smem:$0x7CB];
	s30 =	sadd.s32 $0x200, s8  }
0x120: {  	[hbm4b:s30+s2] =	stream.linear.scatter [tilespmem:s29], [sflag:$0x1], $0x80, $0x38;
	[tilespmem:$0x3880] =	vst v63  }
0x121: {  	s12 =	sld [smem:$0x7CC];
	s13 =	spop (v2sf);
	s11 =	sadd.s32 $0x280, s8  }
0x122: {  	[hbm4b:s11+s2] =	stream.linear.scatter [tilespmem:s31], [sflag:$0x1], $0x80, $0x38;
	[tilespmem:$0x3880] =	vst v63  }
0x123: {  	s14 =	sshrl.u32 s13, $0x3;
	s8 =	sadd.s32 $0x300, s8  }
0x124: {  	(v2sf) =	vpush v0, $0xA;
	[hbm4b:s8+s2] =	stream.linear.scatter [tilespmem:s12], [sflag:$0x1], $0x80, $0x38;
	[tilespmem:$0x3880] =	vst v63  }
0x125: {  	s9 =	smul.u32 $0x1C00, s14;
	s8 =	sshll.u32 s13, $0x7  }
0x126: {  	s8 =	sand.u32 $0x380, s8  }
0x127: {  	s15 =	sld [smem:$0x7CD];
	s8 =	sor.u32 s8, s9  }
0x128: {  	s8 =	sshrl.u32 s8, $0x3  }
0x129: {  	s16 =	sld [smem:$0x7CE];
	s8 =	sadd.s32 s3, s8  }
0x12a: {  	[hbm4b:s8+s2] =	stream.linear.scatter [tilespmem:s15], [sflag:$0x1], $0x80, $0x38;
	[tilespmem:$0x3880] =	vst v63  }
0x12b: {  	s18 =	sld [smem:$0x7CF];
	s17 =	sadd.s32 $0x80, s8  }
0x12c: {  	[hbm4b:s17+s2] =	stream.linear.scatter [tilespmem:s16], [sflag:$0x1], $0x80, $0x38;
	[tilespmem:$0x3880] =	vst v63  }
0x12d: {  	s20 =	sld [smem:$0x7D0];
	s19 =	sadd.s32 $0x100, s8  }
0x12e: {  	[hbm4b:s19+s2] =	stream.linear.scatter [tilespmem:s18], [sflag:$0x1], $0x80, $0x38;
	[tilespmem:$0x3880] =	vst v63  }
0x12f: {  	s22 =	sld [smem:$0x7D1];
	s21 =	sadd.s32 $0x180, s8  }
0x130: {  	[hbm4b:s21+s2] =	stream.linear.scatter [tilespmem:s20], [sflag:$0x1], $0x80, $0x38;
	[tilespmem:$0x3880] =	vst v63  }
0x131: {  	s24 =	sld [smem:$0x7D2];
	s23 =	sadd.s32 $0x200, s8  }
0x132: {  	[hbm4b:s23+s2] =	stream.linear.scatter [tilespmem:s22], [sflag:$0x1], $0x80, $0x38;
	[tilespmem:$0x3880] =	vst v63  }
0x133: {  	s26 =	sld [smem:$0x7D3];
	s28 =	spop (v2sf);
	s25 =	sadd.s32 $0x280, s8  }
0x134: {  	[hbm4b:s25+s2] =	stream.linear.scatter [tilespmem:s24], [sflag:$0x1], $0x80, $0x38;
	[tilespmem:$0x3880] =	vst v63  }
0x135: {  	s29 =	sshrl.u32 s28, $0x3;
	s8 =	sadd.s32 $0x300, s8  }
0x136: {  	(v2sf) =	vpush v0, $0xB;
	[hbm4b:s8+s2] =	stream.linear.scatter [tilespmem:s26], [sflag:$0x1], $0x80, $0x38;
	[tilespmem:$0x3880] =	vst v63  }
0x137: {  	s9 =	smul.u32 $0x1C00, s29;
	s8 =	sshll.u32 s28, $0x7  }
0x138: {  	s8 =	sand.u32 $0x380, s8  }
0x139: {  	s30 =	sld [smem:$0x7D4];
	s8 =	sor.u32 s8, s9  }
0x13a: {  	s8 =	sshrl.u32 s8, $0x3  }
0x13b: {  	s31 =	sld [smem:$0x7D5];
	s8 =	sadd.s32 s3, s8  }
0x13c: {  	[hbm4b:s8+s2] =	stream.linear.scatter [tilespmem:s30], [sflag:$0x1], $0x80, $0x38;
	[tilespmem:$0x3880] =	vst v63  }
0x13d: {  	s12 =	sld [smem:$0x7D6];
	s11 =	sadd.s32 $0x80, s8  }
0x13e: {  	[hbm4b:s11+s2] =	stream.linear.scatter [tilespmem:s31], [sflag:$0x1], $0x80, $0x38;
	[tilespmem:$0x3880] =	vst v63  }
0x13f: {  	s14 =	sld [smem:$0x7D7];
	s13 =	sadd.s32 $0x100, s8  }
0x140: {  	[hbm4b:s13+s2] =	stream.linear.scatter [tilespmem:s12], [sflag:$0x1], $0x80, $0x38;
	[tilespmem:$0x3880] =	vst v63  }
0x141: {  	s16 =	sld [smem:$0x7D8];
	s15 =	sadd.s32 $0x180, s8  }
0x142: {  	[hbm4b:s15+s2] =	stream.linear.scatter [tilespmem:s14], [sflag:$0x1], $0x80, $0x38;
	[tilespmem:$0x3880] =	vst v63  }
0x143: {  	s18 =	sld [smem:$0x7D9];
	s17 =	sadd.s32 $0x200, s8  }
0x144: {  	[hbm4b:s17+s2] =	stream.linear.scatter [tilespmem:s16], [sflag:$0x1], $0x80, $0x38;
	[tilespmem:$0x3880] =	vst v63  }
0x145: {  	s20 =	sld [smem:$0x7DA];
	s21 =	spop (v2sf);
	s19 =	sadd.s32 $0x280, s8  }
0x146: {  	[hbm4b:s19+s2] =	stream.linear.scatter [tilespmem:s18], [sflag:$0x1], $0x80, $0x38;
	[tilespmem:$0x3880] =	vst v63  }
0x147: {  	s22 =	sshrl.u32 s21, $0x3;
	s8 =	sadd.s32 $0x300, s8  }
0x148: {  	(v2sf) =	vpush v0, $0xC;
	[hbm4b:s8+s2] =	stream.linear.scatter [tilespmem:s20], [sflag:$0x1], $0x80, $0x38;
	[tilespmem:$0x3880] =	vst v63  }
0x149: {  	s9 =	smul.u32 $0x1C00, s22;
	s8 =	sshll.u32 s21, $0x7  }
0x14a: {  	s8 =	sand.u32 $0x380, s8  }
0x14b: {  	s23 =	sld [smem:$0x7DB];
	s8 =	sor.u32 s8, s9  }
0x14c: {  	s8 =	sshrl.u32 s8, $0x3  }
0x14d: {  	s24 =	sld [smem:$0x7DC];
	s8 =	sadd.s32 s3, s8  }
0x14e: {  	[hbm4b:s8+s2] =	stream.linear.scatter [tilespmem:s23], [sflag:$0x1], $0x80, $0x38;
	[tilespmem:$0x3880] =	vst v63  }
0x14f: {  	s26 =	sld [smem:$0x7DD];
	s25 =	sadd.s32 $0x80, s8  }
0x150: {  	[hbm4b:s25+s2] =	stream.linear.scatter [tilespmem:s24], [sflag:$0x1], $0x80, $0x38;
	[tilespmem:$0x3880] =	vst v63  }
0x151: {  	s29 =	sld [smem:$0x7DE];
	s28 =	sadd.s32 $0x100, s8  }
0x152: {  	[hbm4b:s28+s2] =	stream.linear.scatter [tilespmem:s26], [sflag:$0x1], $0x80, $0x38;
	[tilespmem:$0x3880] =	vst v63  }
0x153: {  	s31 =	sld [smem:$0x7DF];
	s30 =	sadd.s32 $0x180, s8  }
0x154: {  	[hbm4b:s30+s2] =	stream.linear.scatter [tilespmem:s29], [sflag:$0x1], $0x80, $0x38;
	[tilespmem:$0x3880] =	vst v63  }
0x155: {  	s13 =	sld [smem:$0x7E0];
	s12 =	sadd.s32 $0x200, s8  }
0x156: {  	[hbm4b:s12+s2] =	stream.linear.scatter [tilespmem:s31], [sflag:$0x1], $0x80, $0x38;
	[tilespmem:$0x3880] =	vst v63  }
0x157: {  	s15 =	sld [smem:$0x7E1];
	s16 =	spop (v2sf);
	s14 =	sadd.s32 $0x280, s8  }
0x158: {  	[hbm4b:s14+s2] =	stream.linear.scatter [tilespmem:s13], [sflag:$0x1], $0x80, $0x38;
	[tilespmem:$0x3880] =	vst v63  }
0x159: {  	s17 =	sshrl.u32 s16, $0x3;
	s8 =	sadd.s32 $0x300, s8  }
0x15a: {  	(v2sf) =	vpush v0, $0xD;
	[hbm4b:s8+s2] =	stream.linear.scatter [tilespmem:s15], [sflag:$0x1], $0x80, $0x38;
	[tilespmem:$0x3880] =	vst v63  }
0x15b: {  	s9 =	smul.u32 $0x1C00, s17;
	s8 =	sshll.u32 s16, $0x7  }
0x15c: {  	s8 =	sand.u32 $0x380, s8  }
0x15d: {  	s18 =	sld [smem:$0x7E2];
	s8 =	sor.u32 s8, s9  }
0x15e: {  	s8 =	sshrl.u32 s8, $0x3  }
0x15f: {  	s19 =	sld [smem:$0x7E3];
	s8 =	sadd.s32 s3, s8  }
0x160: {  	[hbm4b:s8+s2] =	stream.linear.scatter [tilespmem:s18], [sflag:$0x1], $0x80, $0x38;
	[tilespmem:$0x3880] =	vst v63  }
0x161: {  	s21 =	sld [smem:$0x7E4];
	s20 =	sadd.s32 $0x80, s8  }
0x162: {  	[hbm4b:s20+s2] =	stream.linear.scatter [tilespmem:s19], [sflag:$0x1], $0x80, $0x38;
	[tilespmem:$0x3880] =	vst v63  }
0x163: {  	s23 =	sld [smem:$0x7E5];
	s22 =	sadd.s32 $0x100, s8  }
0x164: {  	[hbm4b:s22+s2] =	stream.linear.scatter [tilespmem:s21], [sflag:$0x1], $0x80, $0x38;
	[tilespmem:$0x3880] =	vst v63  }
0x165: {  	s25 =	sld [smem:$0x7E6];
	s24 =	sadd.s32 $0x180, s8  }
0x166: {  	[hbm4b:s24+s2] =	stream.linear.scatter [tilespmem:s23], [sflag:$0x1], $0x80, $0x38;
	[tilespmem:$0x3880] =	vst v63  }
0x167: {  	s28 =	sld [smem:$0x7E7];
	s26 =	sadd.s32 $0x200, s8  }
0x168: {  	[hbm4b:s26+s2] =	stream.linear.scatter [tilespmem:s25], [sflag:$0x1], $0x80, $0x38;
	[tilespmem:$0x3880] =	vst v63  }
0x169: {  	s30 =	sld [smem:$0x7E8];
	s31 =	spop (v2sf);
	s29 =	sadd.s32 $0x280, s8  }
0x16a: {  	[hbm4b:s29+s2] =	stream.linear.scatter [tilespmem:s28], [sflag:$0x1], $0x80, $0x38;
	[tilespmem:$0x3880] =	vst v63  }
0x16b: {  	s10 =	sshrl.u32 s31, $0x3;
	s8 =	sadd.s32 $0x300, s8  }
0x16c: {  	(v2sf) =	vpush v0, $0xE;
	[hbm4b:s8+s2] =	stream.linear.scatter [tilespmem:s30], [sflag:$0x1], $0x80, $0x38;
	[tilespmem:$0x3880] =	vst v63  }
0x16d: {  	s9 =	smul.u32 $0x1C00, s10;
	s8 =	sshll.u32 s31, $0x7  }
0x16e: {  	s8 =	sand.u32 $0x380, s8  }
0x16f: {  	s11 =	sld [smem:$0x7E9];
	s8 =	sor.u32 s8, s9  }
0x170: {  	s8 =	sshrl.u32 s8, $0x3  }
0x171: {  	s12 =	sld [smem:$0x7EA];
	s8 =	sadd.s32 s3, s8  }
0x172: {  	[hbm4b:s8+s2] =	stream.linear.scatter [tilespmem:s11], [sflag:$0x1], $0x80, $0x38;
	[tilespmem:$0x3880] =	vst v63  }
0x173: {  	s14 =	sld [smem:$0x7EB];
	s13 =	sadd.s32 $0x80, s8  }
0x174: {  	[hbm4b:s13+s2] =	stream.linear.scatter [tilespmem:s12], [sflag:$0x1], $0x80, $0x38;
	[tilespmem:$0x3880] =	vst v63  }
0x175: {  	s16 =	sld [smem:$0x7EC];
	s15 =	sadd.s32 $0x100, s8  }
0x176: {  	[hbm4b:s15+s2] =	stream.linear.scatter [tilespmem:s14], [sflag:$0x1], $0x80, $0x38;
	[tilespmem:$0x3880] =	vst v63  }
0x177: {  	s18 =	sld [smem:$0x7ED];
	s17 =	sadd.s32 $0x180, s8  }
0x178: {  	[hbm4b:s17+s2] =	stream.linear.scatter [tilespmem:s16], [sflag:$0x1], $0x80, $0x38;
	[tilespmem:$0x3880] =	vst v63  }
0x179: {  	s20 =	sld [smem:$0x7EE];
	s19 =	sadd.s32 $0x200, s8  }
0x17a: {  	[hbm4b:s19+s2] =	stream.linear.scatter [tilespmem:s18], [sflag:$0x1], $0x80, $0x38;
	[tilespmem:$0x3880] =	vst v63  }
0x17b: {  	s22 =	sld [smem:$0x7EF];
	s23 =	spop (v2sf);
	s21 =	sadd.s32 $0x280, s8  }
0x17c: {  	[hbm4b:s21+s2] =	stream.linear.scatter [tilespmem:s20], [sflag:$0x1], $0x80, $0x38;
	[tilespmem:$0x3880] =	vst v63  }
0x17d: {  	s24 =	sshrl.u32 s23, $0x3;
	s8 =	sadd.s32 $0x300, s8  }
0x17e: {  	(v2sf) =	vpush v0, $0xF;
	[hbm4b:s8+s2] =	stream.linear.scatter [tilespmem:s22], [sflag:$0x1], $0x80, $0x38;
	[tilespmem:$0x3880] =	vst v63  }
0x17f: {  	s9 =	smul.u32 $0x1C00, s24;
	s8 =	sshll.u32 s23, $0x7  }
0x180: {  	s8 =	sand.u32 $0x380, s8  }
0x181: {  	s25 =	sld [smem:$0x7F0];
	s8 =	sor.u32 s8, s9  }
0x182: {  	s8 =	sshrl.u32 s8, $0x3  }
0x183: {  	s26 =	sld [smem:$0x7F1];
	s8 =	sadd.s32 s3, s8  }
0x184: {  	[hbm4b:s8+s2] =	stream.linear.scatter [tilespmem:s25], [sflag:$0x1], $0x80, $0x38;
	[tilespmem:$0x3880] =	vst v63  }
0x185: {  	s29 =	sld [smem:$0x7F2];
	s28 =	sadd.s32 $0x80, s8  }
0x186: {  	[hbm4b:s28+s2] =	stream.linear.scatter [tilespmem:s26], [sflag:$0x1], $0x80, $0x38;
	[tilespmem:$0x3880] =	vst v63  }
0x187: {  	s31 =	sld [smem:$0x7F3];
	s30 =	sadd.s32 $0x100, s8  }
0x188: {  	[hbm4b:s30+s2] =	stream.linear.scatter [tilespmem:s29], [sflag:$0x1], $0x80, $0x38;
	[tilespmem:$0x3880] =	vst v63  }
0x189: {  	s12 =	sld [smem:$0x7F4];
	s11 =	sadd.s32 $0x180, s8  }
0x18a: {  	[hbm4b:s11+s2] =	stream.linear.scatter [tilespmem:s31], [sflag:$0x1], $0x80, $0x38;
	[tilespmem:$0x3880] =	vst v63  }
0x18b: {  	s14 =	sld [smem:$0x7F5];
	s13 =	sadd.s32 $0x200, s8  }
0x18c: {  	[hbm4b:s13+s2] =	stream.linear.scatter [tilespmem:s12], [sflag:$0x1], $0x80, $0x38;
	[tilespmem:$0x3880] =	vst v63  }
0x18d: {  	s16 =	sld [smem:$0x7F6];
	s17 =	spop (v2sf);
	s15 =	sadd.s32 $0x280, s8  }
0x18e: {  	[hbm4b:s15+s2] =	stream.linear.scatter [tilespmem:s14], [sflag:$0x1], $0x80, $0x38;
	[tilespmem:$0x3880] =	vst v63  }
0x18f: {  	s18 =	sshrl.u32 s17, $0x3;
	s8 =	sadd.s32 $0x300, s8  }
0x190: {  	[hbm4b:s8+s2] =	stream.linear.scatter [tilespmem:s16], [sflag:$0x1], $0x80, $0x38;
	[tilespmem:$0x3880] =	vst v63  }
0x191: {  	s9 =	smul.u32 $0x1C00, s18;
	s8 =	sshll.u32 s17, $0x7  }
0x192: {  	s8 =	sand.u32 $0x380, s8  }
0x193: {  	s19 =	sld [smem:$0x7F7];
	s8 =	sor.u32 s8, s9  }
0x194: {  	s8 =	sshrl.u32 s8, $0x3  }
0x195: {  	s20 =	sld [smem:$0x7F8];
	s8 =	sadd.s32 s3, s8  }
0x196: {  	[hbm4b:s8+s2] =	stream.linear.scatter [tilespmem:s19], [sflag:$0x1], $0x80, $0x38;
	[tilespmem:$0x3880] =	vst v63  }
0x197: {  	s22 =	sld [smem:$0x7F9];
	s21 =	sadd.s32 $0x80, s8  }
0x198: {  	[hbm4b:s21+s2] =	stream.linear.scatter [tilespmem:s20], [sflag:$0x1], $0x80, $0x38;
	[tilespmem:$0x3880] =	vst v63  }
0x199: {  	s24 =	sld [smem:$0x7FA];
	s23 =	sadd.s32 $0x100, s8  }
0x19a: {  	[hbm4b:s23+s2] =	stream.linear.scatter [tilespmem:s22], [sflag:$0x1], $0x80, $0x38;
	[tilespmem:$0x3880] =	vst v63  }
0x19b: {  	s26 =	sld [smem:$0x7FB];
	s25 =	sadd.s32 $0x180, s8  }
0x19c: {  	[hbm4b:s25+s2] =	stream.linear.scatter [tilespmem:s24], [sflag:$0x1], $0x80, $0x38;
	[tilespmem:$0x3880] =	vst v63  }
0x19d: {  	s29 =	sld [smem:$0x7FC];
	s28 =	sadd.s32 $0x200, s8  }
0x19e: {  	[hbm4b:s28+s2] =	stream.linear.scatter [tilespmem:s26], [sflag:$0x1], $0x80, $0x38;
	[tilespmem:$0x3880] =	vst v63  }
0x19f: {  	s31 =	sld [smem:$0x7FD];
	s30 =	sadd.s32 $0x280, s8  }
0x1a0: {  	[hbm4b:s30+s2] =	stream.linear.scatter [tilespmem:s29], [sflag:$0x1], $0x80, $0x38;
	[tilespmem:$0x3880] =	vst v63  }
0x1a1: {  	s8 =	sadd.s32 $0x300, s8  }
0x1a2: {  	[hbm4b:s8+s2] =	stream.linear.scatter [tilespmem:s31], [sflag:$0x1], $0x80, $0x38;
	[tilespmem:$0x3880] =	vst v63  }
0x1a3: {  	_ =	swait.ge [sflag:s7], $0x380  }
0x1a4: {  	[sflag:s7] =	ssyncset.done $0x0  }
0x1a5: {  	[sflag:s7] =	ssyncadd.s32 $0xFFFFFC80  }
0x1a6: {  	_ =	swait.ge [sflag:s7], $0x380  }
0x1a7: {  	[sflag:s7] =	ssyncset.done $0x0  }
0x1a8: {  	[sflag:s7] =	ssyncadd.s32 $0xFFFFFC80  }
0x1a9: {  	_ =	swait.ge [sflag:s7], $0x380  }
0x1aa: {  	[sflag:s7] =	ssyncset.done $0x0  }
0x1ab: {  	[sflag:s7] =	ssyncadd.s32 $0xFFFFFC80  }
0x1ac: {  	_ =	swait.ge [sflag:s7], $0x380  }
0x1ad: {  	[sflag:s7] =	ssyncset.done $0x0  }
0x1ae: {  	[sflag:s7] =	ssyncadd.s32 $0xFFFFFC80  }
0x1af: {  	_ =	swait.ge [sflag:s7], $0x380  }
0x1b0: {  	[sflag:s7] =	ssyncset.done $0x0  }
0x1b1: {  	[sflag:s7] =	ssyncadd.s32 $0xFFFFFC80  }
0x1b2: {  	_ =	swait.ge [sflag:s7], $0x380  }
0x1b3: {  	[sflag:s7] =	ssyncset.done $0x0  }
0x1b4: {  	[sflag:s7] =	ssyncadd.s32 $0xFFFFFC80  }
0x1b5: {  	_ =	swait.ge [sflag:s7], $0x380  }
0x1b6: {  	[sflag:s7] =	ssyncset.done $0x0  }
0x1b7: {  	[sflag:s7] =	ssyncadd.s32 $0xFFFFFC80  }
0x1b8: {  	_ =	swait.ge [sflag:s7], $0x380  }
0x1b9: {  	[sflag:s7] =	ssyncset.done $0x0  }
0x1ba: {  	[sflag:s7] =	ssyncadd.s32 $0xFFFFFC80  }
0x1bb: {  	_ =	swait.ge [sflag:s7], $0x380  }
0x1bc: {  	[sflag:s7] =	ssyncset.done $0x0  }
0x1bd: {  	[sflag:s7] =	ssyncadd.s32 $0xFFFFFC80  }
0x1be: {  	_ =	swait.ge [sflag:s7], $0x380  }
0x1bf: {  	[sflag:s7] =	ssyncset.done $0x0  }
0x1c0: {  	[sflag:s7] =	ssyncadd.s32 $0xFFFFFC80  }
0x1c1: {  	_ =	swait.ge [sflag:s7], $0x380  }
0x1c2: {  	[sflag:s7] =	ssyncset.done $0x0  }
0x1c3: {  	[sflag:s7] =	ssyncadd.s32 $0xFFFFFC80  }
0x1c4: {  	_ =	swait.ge [sflag:s7], $0x380  }
0x1c5: {  	[sflag:s7] =	ssyncset.done $0x0  }
0x1c6: {  	[sflag:s7] =	ssyncadd.s32 $0xFFFFFC80  }
0x1c7: {  	_ =	swait.ge [sflag:s7], $0x380  }
0x1c8: {  	[sflag:s7] =	ssyncset.done $0x0  }
0x1c9: {  	[sflag:s7] =	ssyncadd.s32 $0xFFFFFC80  }
0x1ca: {  	_ =	swait.ge [sflag:s7], $0x380  }
0x1cb: {  	[sflag:s7] =	ssyncset.done $0x0  }
0x1cc: {  	[sflag:s7] =	ssyncadd.s32 $0xFFFFFC80  }
0x1cd: {  	p0 =	sne.s32 s4, $0x1;
	_ =	swait.ge [sflag:s7], $0x380  }
.Ltmp0:
0x1ce: {  	[sflag:s7] =	ssyncset.done $0x0;
	(pc) =	sbr.rel @p0 .LBB2_1-.Ltmp0, $4  }
0x1cf: {  	[sflag:s7] =	ssyncadd.s32 $0xFFFFFC80  }
0x1d0: {  	_ =	swait.ge [sflag:s7], $0x380  }
0x1d1: {  	[sflag:s7] =	ssyncset.done $0x0  }
0x1d2: {  	s4 =	sadd.s32 $0xFFFFFFFF, s4;
	[sflag:s7] =	ssyncadd.s32 $0xFFFFFC80  }
0x1d3: {  	_ =	sfence.sel $0x180000  }
0x1d4: {  	[bflag:$0x0] =	sbarrier.arrive $0xFFFF  }
0x1d5: {  	p0 =	sne.s32 s0, $0x0;
	_ =	strace $0x9000004A  }
0x1d6: {  	s0 =	sadd.s32 @!p0 $0x100000, s1;
	[bflag:$0x2] =	sbarrier.arrive $0xFFFF  }
0x1d7: {  	[sflag:s0] =	ssyncadd.tile.s32 @!p0 $0x1;
	_ =	shalt  }
.Lfunc_end2:
_tile_overlayer_lowered:
.L_overlay_start_2:
0x1d8: {  	(tag) =	ssettag $0x2  }
0x1d9: {  	s0 =	rddreg [dreg:$0x0];
	s2 =	stileid.u32  }
0x1da: {  	s1 =	rddreg [dreg:$0x1];
	p0 =	sne.s32 s2, $0x0  }
0x1db: {  	s3 =	rddreg [dreg:$0x2];
	[bflag:$0x3] =	sbarrier.arrive $0xFFFF;
	s2 =	simm.s32 @!p0 $0x1C02  }
0x1dc: {  	[timem:s3], [sflag:s2] =	dma.local @!p0 [hbm:s0], s1  }
0x1dd: {  	s0 =	simm.s32 @!p0 $0x2  }
0x1de: {  	_ =	swait.ge @!p0 [sflag:s0], s1  }
0x1df: {  	s1 =	ssub.s32 @!p0 $0x0, s1;
	[sflag:s0] =	ssyncset.done @!p0 $0x0  }
0x1e0: {  	[sflag:s0] =	ssyncadd.s32 @!p0 s1  }
0x1e1: {  	[bflag:$0x3] =	sbarrier.arrive $0xFFFF  }
0x1e2: {  	_ =	shalt  }

// kernel: scatter_offload_async_start
scs
__scs_entry_jumppad:
0x0: {  	(pc) =	sbr.rel $0x88, $3  }
0x1: {  	(tag) =	ssettag $0x0;
	lr =	simm.s32 $0x1  }
0x2: {  	[smem:$0x3F99] =	sst lr;
	_ =	strace $0xD0000000  }
0x3: {  	_ = 	snop  }
0x4: {  	_ = 	snop  }
0x5: {  	_ = 	snop  }
0x6: {  	_ = 	snop  }
0x7: {  	_ = 	snop  }
__scs_overlays_trampoline_lowered:
0x8: {  	[smem:$0x3FA8] =	sst s0  }
0x9: {  	[smem:$0x3FA9] =	sst s1  }
0xa: {  	[smem:$0x3FAA] =	sst s2  }
0xb: {  	[smem:$0x3FAB] =	sst s3  }
0xc: {  	[smem:$0x3FAC] =	sst s4  }
0xd: {  	[smem:$0x3FAD] =	sst s5  }
0xe: {  	[smem:$0x3FAE] =	sst s6  }
0xf: {  	[smem:$0x3FAF] =	sst s7  }
0x10: {  	[smem:$0x3FB0] =	sst s8  }
0x11: {  	[smem:$0x3FB1] =	sst s9;
	s0 =	simm.s32 @!p0 $0x0  }
0x12: {  	s1 =	sld [smem:$0x3F97];
	s0 =	simm.s32 @p0 $0x1  }
0x13: {  	[smem:$0x3FB2] =	sst s0;
	s0 =	simm.s32 @!p1 $0x0  }
0x14: {  	s2 =	sld [smem:$0x3F96];
	s0 =	simm.s32 @p1 $0x1  }
0x15: {  	[smem:$0x3FB3] =	sst s0;
	s0 =	simm.s32 @!p2 $0x0  }
0x16: {  	s3 =	sld [smem:$0x3FDB];
	s0 =	simm.s32 @p2 $0x1  }
0x17: {  	s4 =	simm.s32 $0x1BF5;
	[smem:$0x3FB5] =	sst s0  }
0x18: {  	s0 =	sld [smem:$0x3F98];
	_ =	swait.ge [sflag:s4], $0x0  }
0x19: {  	s7 =	sld [smem:$0x3F99]  }
0x1a: {  	s8 =	sadd.s32 $0xFFFFE003, lr  }
0x1b: {  	s9 =	sadd.s32 $0xFFFFFEF7, lr;
	s5 =	simm.s32 $0xFFFFFFFF;
	p2 =	slt.u32 s8, $0xFFFFF086  }
0x1c: {  	p1 =	slt.u32 s9, $0xF7A;
	s5 =	simm.s32 @!p2 $0x0  }
0x1d: {  	s5 =	simm.s32 @p1 $0x1;
	p0 =	seq.s32 s7, s2  }
0x1e: {  	s7 =	smul.u32 @!p0 $0xF7A, s2;
	p2 =	seq.s32 @!p0 s5, $0x0  }
0x1f: {  	s9 =	smul.u32 $0xF7A, s1;
	s8 =	simm.s32 @!p0 $0x1BF5;
	p2 =	por !p2, p0  }
0x20: {  	[sflag:s8] =	ssyncset.s32 @!p0 $0xFFFFF086;
	s6 =	sadd.s32 @!p0 s3, s7;
	s7 =	simm.s32 @!p0 $0x108  }
0x21: {  	s3 =	sadd.s32 s3, s9;
	s6 =	sadd.s32 @!p0 $0x88, s6;
	s7 =	simm.s32 @p2 $0x1082  }
0x22: {  	[simem:s7], [sflag:s8] =	dma.local @!p0 [hbm:s6], $0xF7A  }
0x23: {  	s9 =	sor.u32 $0xD0000000, s2;
	s6 =	simm.s32 $0x108;
	_ =	swait.ge @!p0 [sflag:s8], $0x0  }
0x24: {  	s3 =	sadd.s32 $0x88, s3;
	s6 =	simm.s32 @!p1 $0x1082;
	[sflag:s4] =	ssyncset.s32 $0xFFFFF086  }
0x25: {  	[simem:s6], [sflag:s4] =	dma.local [hbm:s3], $0xF7A  }
0x26: {  	[smem:$0x3F99] =	sst s1;
	(tag) =	ssettag s2;
	_ =	strace s9  }
0x27: {  	s1 =	sld [smem:$0x3FA9]  }
0x28: {  	s2 =	sld [smem:$0x3FAA]  }
0x29: {  	s4 =	sld [smem:$0x3FAC]  }
0x2a: {  	p0 =	seq.s32 s5, $0x0;
	s5 =	sld [smem:$0x3FAD]  }
0x2b: {  	s6 =	sld [smem:$0x3FAE]  }
0x2c: {  	s7 =	sld [smem:$0x3FAF]  }
0x2d: {  	s3 =	simm.s32 $0x108;
	s8 =	sld [smem:$0x3FB0]  }
0x2e: {  	s3 =	simm.s32 @!p0 $0x1082;
	s9 =	sld [smem:$0x3FB1]  }
0x2f: {  	lr =	sadd.s32 s0, s3;
	s0 =	sld [smem:$0x3FA8]  }
0x30: {  	s3 =	sld [smem:$0x3FAB]  }
0x31: {  	[smem:$0x3FB4] =	sst s10  }
0x32: {  	s10 =	sld [smem:$0x3FB2];
	_ =	sdelay $0x3  }
0x33: {  	p0 =	seq.s32 s10, $0x1;
	s10 =	sld [smem:$0x3FB4];
	_ =	sdelay $0x3  }
0x34: {  	[smem:$0x3FB4] =	sst s10  }
0x35: {  	s10 =	sld [smem:$0x3FB3];
	_ =	sdelay $0x3  }
0x36: {  	p1 =	seq.s32 s10, $0x1;
	s10 =	sld [smem:$0x3FB4];
	_ =	sdelay $0x3  }
0x37: {  	[smem:$0x3FB4] =	sst s10  }
0x38: {  	s10 =	sld [smem:$0x3FB5]  }
0x39: {  	_ = 	snop;
	(pc) =	sbr.ind lr, $3  }
0x3a: {  	_ = 	snop  }
0x3b: {  	_ = 	snop  }
0x3c: {  	p2 =	seq.s32 s10, $0x1;
	s10 =	sld [smem:$0x3FB4]  }
0x3d: {  	_ =	shalt  }
0x3e: {  	_ =	shalt  }
0x3f: {  	_ =	shalt  }
0x40: {  	_ =	shalt  }
0x41: {  	_ =	shalt  }
0x42: {  	_ =	shalt  }
0x43: {  	_ =	shalt  }
0x44: {  	_ =	shalt  }
0x45: {  	_ =	shalt  }
0x46: {  	_ =	shalt  }
0x47: {  	_ =	shalt  }
0x48: {  	_ =	shalt  }
0x49: {  	_ =	shalt  }
0x4a: {  	_ =	shalt  }
0x4b: {  	_ =	shalt  }
0x4c: {  	_ =	shalt  }
0x4d: {  	_ =	shalt  }
0x4e: {  	_ =	shalt  }
0x4f: {  	_ =	shalt  }
0x50: {  	_ =	shalt  }
0x51: {  	_ =	shalt  }
0x52: {  	_ =	shalt  }
0x53: {  	_ =	shalt  }
0x54: {  	_ =	shalt  }
0x55: {  	_ =	shalt  }
0x56: {  	_ =	shalt  }
0x57: {  	_ =	shalt  }
0x58: {  	_ =	shalt  }
0x59: {  	_ =	shalt  }
0x5a: {  	_ =	shalt  }
0x5b: {  	_ =	shalt  }
0x5c: {  	_ =	shalt  }
0x5d: {  	_ =	shalt  }
0x5e: {  	_ =	shalt  }
0x5f: {  	_ =	shalt  }
0x60: {  	_ =	shalt  }
0x61: {  	_ =	shalt  }
0x62: {  	_ =	shalt  }
0x63: {  	_ =	shalt  }
0x64: {  	_ =	shalt  }
0x65: {  	_ =	shalt  }
0x66: {  	_ =	shalt  }
0x67: {  	_ =	shalt  }
0x68: {  	_ =	shalt  }
0x69: {  	_ =	shalt  }
0x6a: {  	_ =	shalt  }
0x6b: {  	_ =	shalt  }
0x6c: {  	_ =	shalt  }
0x6d: {  	_ =	shalt  }
0x6e: {  	_ =	shalt  }
0x6f: {  	_ =	shalt  }
0x70: {  	_ =	shalt  }
0x71: {  	_ =	shalt  }
0x72: {  	_ =	shalt  }
0x73: {  	_ =	shalt  }
0x74: {  	_ =	shalt  }
0x75: {  	_ =	shalt  }
0x76: {  	_ =	shalt  }
0x77: {  	_ =	shalt  }
0x78: {  	_ =	shalt  }
0x79: {  	_ =	shalt  }
0x7a: {  	_ =	shalt  }
0x7b: {  	_ =	shalt  }
0x7c: {  	_ =	shalt  }
0x7d: {  	_ =	shalt  }
0x7e: {  	_ =	shalt  }
0x7f: {  	_ =	shalt  }
0x80: {  	_ =	shalt  }
0x81: {  	_ =	shalt  }
0x82: {  	_ =	shalt  }
0x83: {  	_ =	shalt  }
0x84: {  	_ =	shalt  }
0x85: {  	_ =	shalt  }
0x86: {  	_ =	shalt  }
0x87: {  	_ =	shalt  }
.Lfunc_end0:
.L_simem_size_0:
called_computation_lowered:
.L_overlay_start_0:
0x88: {  	s0 =	sld [smem:$0x3FD9]  }
0x89: {  	s1 =	sld [smem:$0x3FFE];
	_ =	sdelay $0x3  }
0x8a: {  	s0 =	sadd.s32 s1, s0  }
0x8b: {  	[smem:$0x3FC0] =	sst s0  }
0x8c: {  	_ = 	snop  }
0x8d: {  	s0 =	sld [smem:$0x3FD0];
	(tm) =	ssettm $0x1  }
0x8e: {  	s16 =	sld [smem:$0x3FFB];
	_ =	sdelay $0x3  }
0x8f: {  	_ =	strace s16  }
0x90: {  	s1 =	sld [smem:$0x3FFC];
	_ =	sdelay $0x3  }
0x91: {  	_ =	strace s1  }
0x92: {  	s1 =	sld [smem:$0x3FFD];
	_ =	sdelay $0x3  }
0x93: {  	_ =	strace s1  }
0x94: {  	_ =	strace $0x8FFFFFFF  }
0x95: {  	s17 =	sld [smem:$0x3FDB];
	_ =	sdelay $0x1  }
0x96: {  	s2 =	simm.s32 $_scs_section_size  }
0x97: {  	s3 =	simm.s32 $_size__tile_overlayer_lowered;
	s4 =	simm.s32 $_tile_overlayer_lowered  }
0x98: {  	s20 =	simm.s32 $0x1BFF;
	s19 =	sshll.u32 s4, $0x1;
	s1 =	sadd.s32 s2, s17  }
0x99: {  	s5 =	simm.s32 $0x0;
	s18 =	sshll.u32 s3, $0x1;
	s3 =	sadd.s32 s19, s1  }
0x9a: {  	[timem:s5], [sflag:s20] =	dma.local [hbm:s3], s18  }
0x9b: {  	_ =	swait.ge [sflag:s20], s18  }
0x9c: {  	s2 =	ssub.s32 $0x0, s18;
	[sflag:s20] =	ssyncset.done $0x0  }
0x9d: {  	[sflag:s20] =	ssyncadd.s32 s2;
	_ =	sdelay $0x1  }
0x9e: {  	s21 =	simm.s32 $0x1B8B  }
0x9f: {  	_ =	swait.ge [sflag:s21], $0x1  }
0xa0: {  	[sflag:s21] =	ssyncset.done $0x0  }
0xa1: {  	s23 =	simm.s32 $0x1B8E;
	s22 =	sld [smem:$0x3FFE];
	[sflag:s21] =	ssyncadd.s32 $0xFFFFFFFF  }
0xa2: {  	s24 =	simm.s32 $execute0_lowered;
	[smem:$0x3FD2] =	sst s23  }
0xa3: {  	s3 =	sshll.u32 s24, $0x1;
	_ =	strace $0x80000046;
	[dreg:$0x1] =	wrdreg $0xFFFFFFFF  }
0xa4: {  	s25 =	simm.s32 $_size_execute0_lowered;
	s1 =	sadd.s32 s1, s3;
	[dreg:$0x0] =	wrdreg $0x0  }
0xa5: {  	s3 =	sshll.u32 s25, $0x1;
	[dreg:$0x2] =	wrdreg s1  }
0xa6: {  	[dreg:$0x3] =	wrdreg s3  }
0xa7: {  	[dreg:$0x4] =	wrdreg $0xC0  }
0xa8: {  	_ =	task [dreg:s5], $0x5FFFF  }
0xa9: {  	[dreg:$0x1] =	wrdreg $0xFFFFFFFF  }
0xaa: {  	[dreg:$0x0] =	wrdreg $0x60  }
0xab: {  	[dreg:$0x2] =	wrdreg s0  }
0xac: {  	[dreg:$0x3] =	wrdreg s22  }
0xad: {  	[dreg:$0x4] =	wrdreg $0x9  }
0xae: {  	_ =	task.clear_ibuf [dreg:s5], $0x5FFFF;
	_ =	strace $0x90000046  }
0xaf: {  	s26 =	simm.s32 $0x9;
	_ =	strace $0x80000048  }
0xb0: {  	_ =	swait.ge [sflag:s26], $0x1  }
0xb1: {  	[sflag:s26] =	ssyncadd.s32 $0xFFFFFFFF  }
0xb2: {  	_ =	strace $0x90000048  }
0xb3: {  	_ =	sfence  }
0xb4: {  	s28 =	sld [smem:$0x0];
	_ =	sdelay $0x1  }
0xb5: {  	s29 =	srdreg.scid  }
0xb6: {  	s30 =	sshll.u32 s29, $0xD;
	s31 =	sshrl.u32 s29, $0x2  }
0xb7: {  	s2 =	sand.u32 $0x4000, s30;
	s1 =	sand.u32 $0x1, s29;
	s0 =	sadd.s32 s31, s28  }
0xb8: {  	s1 =	sor.u32 s2, s1;
	s0 =	sshll.u32 s0, $0x11  }
0xb9: {  	s0 =	sor.u32 s0, s1  }
0xba: {  	s0 =	sadd.s32 $0x8F2B, s0  }
0xbb: {  	[sflag:s0] =	ssyncadd.remote.s32 $0x1  }
0xbc: {  	_ =	sfence.sel $0xFFFF  }
0xbd: {  	[dreg:$0x0] =	wrdreg $0xFFFFFFFF;
	(pc) =	sbr.abs _section_cstart, $3  }
0xbe: {  	[dreg:$0x1] =	wrdreg $0xFFFFFFFF  }
0xbf: {  	_ =	task.clear_ibuf [dreg:s5], $0x2FFFF;
	_ =	strace $0x9FFFFFFF  }
0xc0: {  	(tm) =	ssettm $0x7FFFFFFF  }
0xc1: {  	_ =	shalt  }
tec
execute0_lowered:
.L_overlay_start_1:
0x0: {  	(tag) =	ssettag $0x1  }
0x1: {  	s1 =	rddreg [dreg:$0x0]  }
0x2: {  	s3 =	rddreg [dreg:$0x1];
	_ =	strace $0x80000047;
	s4 =	simm.s32 $0x1  }
0x3: {  	v1 =	vimm.s32 $0xFFFFFFFF;
	[sflag:s4] =	ssyncpa.u1 $0x0  }
0x4: {  	[tilespmem:$0x10] =	vst v1  }
0x5: {  	v0 =	vimm.f32 $0.0e+00;
	[tilespmem:$0x20] =	vst v1  }
0x6: {  	s2 =	simm.s32 $0x2;
	[tilespmem:$0x30] =	vst v0  }
0x7: {  	s0 =	stileid.u32;
	s7 =	simm.s32 $0x7;
	s10 =	simm.s32 $0x9;
	[tilespmem:$0x40] =	vst v0  }
0x8: {  	s13 =	simm.s32 $0x0;
	s14 =	simm.s32 $0x11F;
	s15 =	simm.s32 $0x10;
	[tilespmem:$0x50] =	vst v0  }
0x9: {  	s16 =	simm.s32 $0x1A0;
	s17 =	simm.s32 $0x220;
	s18 =	simm.s32 $0xF;
	[tilespmem:$0x60] =	vst v1  }
0xa: {  	s19 =	simm.s32 $0x50;
	s20 =	simm.s32 $0x17F;
	s21 =	simm.s32 $0x20;
	[tilespmem:$0x70] =	vst v1  }
0xb: {  	s22 =	simm.s32 $0x1E0;
	s23 =	simm.s32 $0x1F0;
	s24 =	simm.s32 $0x30;
	[tilespmem:$0x80] =	vst v1  }
0xc: {  	s25 =	simm.s32 $0x1FF;
	s26 =	simm.s32 $0x80;
	s30 =	simm.s32 $0x0;
	v1 =	vimm.s32 $0x0;
	[tilespmem:$0xB0] =	vst v0  }
.Ltmp0:
0xd: {  	s29 =	simm.s32 $0x0;
	s5 =	sadd.s32 $0x200, s3;
	[tilespmem:$0x90] =	vst v1;
	(pc) =	sbr.rel .LBB2_1-.Ltmp0, $4  }
0xe: {  	s6 =	sshll.u32 s0, $0x5;
	s8 =	sshll.u32 s0, $0x1;
	[tilespmem:$0xA0] =	vst v1;
	[sflag:s2] =	ssyncpa.u1 $0x0  }
0xf: {  	s11 =	sshllo.u32 s0, $0x1;
	[sflag:s7] =	ssyncpa.u1 $0x0;
	s7 =	simm.s32 $0x8  }
0x10: {  	vm0 =	vmxor vm0, vm0;
	s9 =	sadd.s32 $0x20, s6;
	s12 =	sor.u32 $0x80, s8;
	[sflag:s7] =	ssyncpa.u1 $0x0  }
0x11: {  	vm1 =	vmmov $0x1;
	vm2 =	vcmask $0x3F3C;
	vm3 =	vmmov $0xffff;
	s28 =	smov.u32 s6;
	[sflag:s10] =	ssyncpa.u1 $0x0;
	s10 =	sor.u32 $0x81, s8  }
.LBB2_2:
0x12: {  	p0 =	seq.s32 s29, $0x0  }
0x13: {  	s31 =	sshrl.u32 @p0 s28, $0x3  }
0x14: {  	s0 =	sand.u32 @p0 $0x7, s28;
	s2 =	simm.s32 @p0 $0x100;
	s31 =	sadd.s32 @p0 s3, s31  }
0x15: {  	[tilespmem:s2], [sflag:$0x7] =	stream.linear.gather @p0 [hbm4b:s31+s0], $0x20, $0x38;
	[tilespmem:$0x240] =	vst v63  }
0x16: {  	s0 =	simm.s32 @!p0 $0x7  }
0x17: {  	_ =	swait.ge @!p0 [sflag:s0], $0x20  }
0x18: {  	[sflag:s0] =	ssyncset.done @!p0 $0x0  }
0x19: {  	[sflag:s0] =	ssyncadd.s32 @!p0 $0xFFFFFFE0;
	s0 =	simm.s32 @!p0 $0x100  }
0x1a: {  	(ifvalue) =	ssetifvalue @!p0 $0xFFFFFFFF;
	v2 =	vld.msk @!p0 [tilespmem:s0+$0x0 ss:$0x1], $0xffff;
	_ =	sdelay $0x3  }
0x1b: {  	v3 =	vimm.s32 @!p0 $0x0  }
0x1c: {  	v4 =	vperm.xlane @!p0 v2, v3  }
0x1d: {  	vm4 =	vlt.u32 @!p0 v2, $0x18800  }
0x1e: {  	v2 =	vnsel @!p0 vm4, $0xFFFFFFFE, v2;
	vm4 =	vlt.u32 @!p0 v4, $0x18800  }
0x1f: {  	[tilespmem:$0x70] =	vst @!p0 v2;
	v2 =	vnsel @!p0 vm4, $0xFFFFFFFE, v4  }
0x20: {  	s2 =	simm.s32 @!p0 $0x110;
	[tilespmem:$0x80] =	vst @!p0 v2  }
0x21: {  	v2 =	vld.msk @!p0 [tilespmem:s2+$0x0 ss:$0x1], $0xffff;
	_ =	sdelay $0x4  }
0x22: {  	(xrf1) =	vunique.msk.u32 @!p0 $0xffff, v2;
	_ =	sdelay $0xd  }
0x23: {  	v5 =	vlaneseq.u32 @!p0;
	v4, _, _ =	vpop @!p0 (xrf1)  }
0x24: {  	vm4 =	vlt.u32 @!p0 v2, $0x18800;
	vm5 =	veq.s32 @!p0 v4, v5  }
0x25: {  	vm5 =	vmand @!p0 vm4, vm5  }
0x26: {  	v4 =	vnsel @!p0 vm5, $0xFFFFFFFF, v2;
	_ =	sdelay $0x3  }
0x27: {  	s31 =	simm.s32 @!p0 $0x170;
	s2 =	simm.s32 @!p0 $0x0;
	(ifvalue) =	ssetifvalue @!p0 $0xFFFFFFFF;
	vm5 =	vmmov @!p0 $0xffff  }
0x28: {  	[tilespmem:s31], [sflag:$0x8] =	stream.indirect_vreg.gather @!p0 [hbm4b:s1+s2], $0x1, v4, vm5, $0x4038;
	v4 =	vnsel @!p0 vm4, $0xFFFFFFFE, v4;
	[tilespmem:$0x240] =	vst v63  }
0x29: {  	[tilespmem:$0x110] =	vst @!p0 v4  }
0x2a: {  	v4 =	vld.msk @!p0 [tilespmem:s0+$0x0 ss:$0x1], $0xffff;
	_ =	sdelay $0x4  }
0x2b: {  	(xrf1) =	vunique.msk.u32 @!p0 $0xffff, v4;
	_ =	sdelay $0xc  }
0x2c: {  	v2 =	vperm.xlane @!p0 v2, v3  }
0x2d: {  	v3, _, _ =	vpop @!p0 (xrf1)  }
0x2e: {  	vm6 =	vne.s32 @!p0 v4, v2;
	vm4 =	veq.s32 @!p0 v3, v5  }
0x2f: {  	vm7 =	vlt.u32 @!p0 v4, $0x18800;
	vm4 =	vmand @!p0 vm6, vm4  }
0x30: {  	vm4 =	vmand @!p0 vm7, vm4  }
0x31: {  	v2 =	vnsel @!p0 vm4, $0xFFFFFFFF, v4;
	_ =	sdelay $0x3  }
0x32: {  	s0 =	simm.s32 @!p0 $0x160;
	(ifvalue) =	ssetifvalue @!p0 $0xFFFFFFFF  }
0x33: {  	[tilespmem:s0], [sflag:$0x8] =	stream.indirect_vreg.gather @!p0 [hbm4b:s1+s2], $0x1, v2, vm5, $0x4038;
	[tilespmem:$0x240] =	vst v63  }
0x34: {  	v2 =	vnsel @!p0 vm7, $0xFFFFFFFE, v2;
	s0 =	sshrl.u32 @!p0 s30, $0x3  }
0x35: {  	s2 =	simm.s32 @!p0 $0x1A0;
	[tilespmem:$0x100] =	vst @!p0 v2;
	s0 =	sadd.s32 @!p0 s5, s0  }
0x36: {  	[tilespmem:s2], [sflag:$0x8] =	stream.linear.gather @!p0 [hbm:s0], $0x20, $0x38;
	[tilespmem:$0x240] =	vst v63  }
.LBB2_5:
0x37: {  	s0 =	sadd.s32 $0x20, s28  }
0x38: {  	s2 =	smov.u32 s6;
	s29 =	sadd.s32 $0x1, s29;
	p0 =	slt.s32 s0, s9  }
0x39: {  	s2 =	smov.u32 @p0 s0;
	p0 =	sne.s32 s29, $0x4  }
.Ltmp1:
0x3a: {  	_ = 	snop;
	(pc) =	sbr.rel @!p0 .LBB2_6-.Ltmp1, $2  }
0x3b: {  	_ =	sdelay $0x2  }
0x3c: {  	s30 =	smov.u32 s28;
	s28 =	smov.u32 s2  }
.LBB2_1:
0x3d: {  	p0 =	sgt.s32 s29, $0x1  }
.Ltmp2:
0x3e: {  	_ = 	snop;
	(pc) =	sbr.rel @!p0 .LBB2_2-.Ltmp2, $1  }
0x3f: {  	_ =	sdelay $0x3  }
0x40: {  	p0 =	seq.s32 s29, $0x2  }
.Ltmp3:
0x41: {  	_ = 	snop;
	(pc) =	sbr.rel @!p0 .LBB2_21-.Ltmp3, $1  }
0x42: {  	_ =	sdelay $0x3  }
0x43: {  	_ =	swait.ge [sflag:s7], $0x40  }
0x44: {  	[sflag:s7] =	ssyncset.done $0x0  }
0x45: {  	[sflag:s7] =	ssyncadd.s32 $0xFFFFFFC0  }
0x46: {  	[spmem:s10] =	stream.linear.scatter [tilespmem:s14], [sflag:$0x1], $0x1, $0x38;
	[tilespmem:$0x240] =	vst v63  }
0x47: {  	_ =	swait.ge [sflag:s4], $0x1  }
0x48: {  	[sflag:s4] =	ssyncset.done $0x0  }
0x49: {  	[sflag:s4] =	ssyncadd.s32 $0xFFFFFFFF  }
0x4a: {  	v2 =	vld [tilespmem:$0x10]  }
0x4b: {  	v3 =	vld [tilespmem:$0x70]  }
0x4c: {  	v4 =	vld [tilespmem:$0x80];
	_ =	sdelay $0x2  }
0x4d: {  	(v2sf) =	vpush v2, $0x0  }
0x4e: {  	(v2sf) =	vpush v3, $0x0  }
0x4f: {  	(v2sf) =	vpush v4, $0x0;
	_ =	sdelay $0xc  }
0x50: {  	s0 =	spop (v2sf)  }
0x51: {  	s2 =	spop (v2sf)  }
0x52: {  	s30 =	spop (v2sf)  }
0x53: {  	p0 =	seq.s32 s0, s2;
	p1 =	seq.s32 s30, s0  }
0x54: {  	p1 =	por p0, p1  }
0x55: {  	v2 =	vpsel p1, $0xFFFFFFFF, v2  }
0x56: {  	[tilespmem:s15+$0x0] =	vst.msk $0x1, v2  }
0x57: {  	v2 =	vld [tilespmem:$0x30]  }
0x58: {  	v3 =	vld [tilespmem:$0x1A0]  }
0x59: {  	v5 =	vld [tilespmem:$0x40];
	_ =	sdelay $0x3  }
0x5a: {  	vm4 =	vmmov vm0;
	v3 =	vadd.f32 v3, v2  }
0x5b: {  	vm5 =	vmmov vm1;
	vm4 =	vmmov @p0 vm1;
	v2 =	vadd.f32 v5, v2  }
0x5c: {  	vm5 =	vmmov @p1 vm0;
	[tilespmem:s16+$0x0] =	vst.msk vm4, v3  }
0x5d: {  	[tilespmem:s17+$0x0] =	vst.msk vm5, v2  }
0x5e: {  	v2 =	vld [tilespmem:$0x170];
	_ =	sdelay $0x4  }
0x5f: {  	v2 =	vshift.insert v2, v0, s18;
	_ =	sdelay $0x1  }
0x60: {  	[tilespmem:s19+$0x0] =	vst.msk $0x1, v2  }
0x61: {  	[tilespmem:s20+$0x0] =	vst.msk $0x1, v0  }
0x62: {  	v2 =	vld [tilespmem:$0x110];
	_ =	sdelay $0x4  }
0x63: {  	v2 =	vshift.insert v2, v1, s18;
	_ =	sdelay $0x1  }
0x64: {  	[tilespmem:s21+$0x0] =	vst.msk $0x1, v2  }
0x65: {  	v3 =	vld [tilespmem:$0x1A0]  }
0x66: {  	v59 =	vld [tilespmem:$0x100];
	_ =	sdelay $0x3  }
0x67: {  	v3 =	vadd.f32 $0.0e+00, v3  }
0x68: {  	vm5 =	vne.s32 v59, $0xFFFFFFFF  }
0x69: {  	(xrf2) =	vadd.seg.scan.f32 vm5, v3;
	_ =	sdelay $0x3  }
0x6a: {  	v3 =	vperm.xlane v2, v1  }
0x6b: {  	v6 =	vld [tilespmem:$0x160]  }
0x6c: {  	vm4 =	veq.s32 v59, v4;
	vm6 =	veq.s32 v59, v3  }
0x6d: {  	vm7 =	vgt.u32 v59, $0xFFFFFFFD;
	vm6 =	vmor vm6, vm4  }
0x6e: {  	vm6 =	vmor vm6, vm7  }
0x6f: {  	v5 =	vsel vm6, $0xFFFFFFFF, v59  }
0x70: {  	v6 =	vsel vm4, $0x0, v6;
	v7, _, _ =	vpop (xrf2)  }
0x71: {  	v6 =	vadd.f32 v7, v6  }
0x72: {  	v8 =	vld [tilespmem:$0xA0]  }
0x73: {  	v9 =	vld [tilespmem:$0x90];
	[tilespmem:$0x1E0] =	vst v6;
	(ifvalue) =	ssetifvalue $0xFFFFFFFF  }
0x74: {  	[hbm4b:s1+s13] =	stream.indirect_vreg.scatter [tilespmem:s22], [sflag:$0x2], $0x1, v5, vm3, $0x4038;
	[tilespmem:$0x240] =	vst v63  }
0x75: {  	v5 =	vld [tilespmem:$0x1B0]  }
0x76: {  	vm5 =	vmand vm5, vm2;
	v60 =	vld [tilespmem:$0x110]  }
0x77: {  	v10 =	vsel vm5, $0x0, v7  }
0x78: {  	v10 =	vshift.insert v10, v0, s18;
	_ =	sdelay $0x1  }
0x79: {  	v5 =	vadd.f32 v5, v10  }
0x7a: {  	vm5 =	vne.s32 v60, $0xFFFFFFFF  }
0x7b: {  	(xrf2) =	vadd.seg.scan.f32 vm5, v5;
	_ =	sdelay $0x4  }
0x7c: {  	v61 =	vld [tilespmem:$0x170]  }
0x7d: {  	vm13 =	veq.s32 v60, v3;
	vm5 =	veq.s32 v60, v4  }
0x7e: {  	vm14 =	vgt.u32 v60, $0xFFFFFFFD;
	vm6 =	vmor vm13, vm5  }
0x7f: {  	vm6 =	vmor vm6, vm14  }
0x80: {  	v3 =	vsel vm6, $0xFFFFFFFF, v60  }
0x81: {  	v5 =	vsel vm5, $0x0, v61;
	v62, _, _ =	vpop (xrf2)  }
0x82: {  	v5 =	vadd.f32 v62, v5;
	_ =	sdelay $0x1  }
0x83: {  	[tilespmem:$0x1F0] =	vst v5;
	(ifvalue) =	ssetifvalue $0xFFFFFFFF  }
0x84: {  	[hbm4b:s1+s13] =	stream.indirect_vreg.scatter [tilespmem:s23], [sflag:$0x2], $0x1, v3, vm3, $0x4038;
	[tilespmem:$0x240] =	vst v63  }
0x85: {  	v3 =	vld [tilespmem:$0x1F0];
	_ =	sdelay $0x4  }
0x86: {  	vm15 =	veq.s32 v8, $0x1;
	v3 =	vshift.insert v3, v0, s18  }
0x87: {  	v63 =	vsel vm4, v7, v9;
	vm6 =	vmor vm15, vm4  }
0x88: {  	vm4 =	vmor vm6, vm5;
	v4 =	vsel vm5, v62, v63;
	[tilespmem:s24+$0x0] =	vst.msk $0x1, v3  }
0x89: {  	v3 =	vsel vm4, $0x1, v1;
	[tilespmem:$0x90] =	vst v4  }
0x8a: {  	[tilespmem:$0xA0] =	vst v3  }
0x8b: {  	[spmem:s11] =	stream.linear.scatter [tilespmem:s25], [sflag:$0x1], $0x1, $0x38;
	[tilespmem:$0x240] =	vst v63  }
0x8c: {  	v3 =	vmctz.xlane vm4;
	_ =	swait.ge [sflag:s4], $0x1  }
0x8d: {  	(v2sf) =	vpush v2, $0x0  }
0x8e: {  	(v2sf) =	vpush v3, $0x0;
	_ =	sdelay $0xd  }
0x8f: {  	s31 =	spop (v2sf)  }
0x90: {  	s2 =	spop (v2sf)  }
0x91: {  	[sflag:s4] =	ssyncset.done $0x0;
	p0 =	sne.s32 s30, s31;
	p1 =	slt.s32 s2, $0xF  }
0x92: {  	[sflag:s4] =	ssyncadd.s32 $0xFFFFFFFF;
	v2 =	vimm.s32 @!p0 $0xFFFFFFFF;
	s2 =	simm.s32 @!p1 $0xF  }
0x93: {  	[tilespmem:$0x80] =	vst @!p0 v2;
	s31 =	sadd.s32 $0x90, s2  }
0x94: {  	[spmem:s8] =	stream.linear.scatter [tilespmem:s31], [sflag:$0x1], $0x1, $0x38;
	[tilespmem:$0x240] =	vst v63  }
0x95: {  	_ =	swait.ge [sflag:s4], $0x1  }
0x96: {  	[sflag:s4] =	ssyncset.done $0x0  }
0x97: {  	[sflag:s4] =	ssyncadd.s32 $0xFFFFFFFF  }
0x98: {  	[spmem:s12] =	stream.linear.scatter [tilespmem:s26], [sflag:$0x1], $0x1, $0x38;
	[tilespmem:$0x240] =	vst v63  }
0x99: {  	_ =	swait.ge [sflag:s4], $0x1  }
0x9a: {  	[sflag:s4] =	ssyncset.done $0x0  }
0x9b: {  	[sflag:s4] =	ssyncadd.s32 $0xFFFFFFFF;
	(ifvalue) =	ssetifvalue $0xFFFFFFFF;
	v2 =	vld [tilespmem:$0x10];
	_ =	sdelay $0x3  }
.Ltmp4:
0x9c: {  	_ = 	snop;
	(pc) =	sbr.rel .LBB2_5-.Ltmp4, $3  }
0x9d: {  	_ =	sdelay $0x1  }
0x9e: {  	(ifvalue) =	ssetifvalue $0xFFFFFFFF  }
0x9f: {  	[hbm4b:s1+s13] =	stream.indirect_vreg.scatter [tilespmem:s17], [sflag:$0x9], $0x1, v2, vm3, $0x4038;
	[tilespmem:$0x240] =	vst v63  }
.LBB2_21:
0xa0: {  	s0 =	simm.s32 $0x2  }
0xa1: {  	_ =	swait.ge [sflag:s0], $0x20  }
0xa2: {  	[sflag:s0] =	ssyncset.done $0x0  }
0xa3: {  	s31 =	simm.s32 $0x9;
	[sflag:s0] =	ssyncadd.s32 $0xFFFFFFE0  }
0xa4: {  	_ =	swait.ge [sflag:s31], $0x10  }
0xa5: {  	[sflag:s31] =	ssyncset.done $0x0  }
0xa6: {  	[sflag:s31] =	ssyncadd.s32 $0xFFFFFFF0  }
.LBB2_6:
0xa7: {  	_ =	sfence.sel $0x180000  }
0xa8: {  	s0 =	simm.s32 $0x7;
	[bflag:$0x0] =	sbarrier.arrive $0xFFFF  }
0xa9: {  	s26 =	simm.s32 $0x8;
	[sflag:s0] =	ssyncpa.u1 $0x1  }
0xaa: {  	s28 =	simm.s32 $0x9;
	[sflag:s26] =	ssyncpa.u1 $0x1  }
0xab: {  	[sflag:s28] =	ssyncpa.u1 $0x1  }
0xac: {  	_ =	sfence.stream.spmem  }
0xad: {  	s29 =	simm.s32 $0x3;
	[bflag:$0x0] =	sbarrier.arrive $0xFFFF  }
0xae: {  	s30 =	simm.s32 $0x4;
	[sflag:s29] =	ssyncpa.u1 $0x1  }
0xaf: {  	s31 =	simm.s32 $0x3C;
	s2 =	stileid.u32;
	[sflag:s30] =	ssyncpa.u1 $0x1  }
0xb0: {  	p0 =	sne.s32 s2, $0x0;
	[sflag:s31] =	ssyncpa.u1 $0x1  }
0xb1: {  	s0 =	simm.s32 @p0 $0x1;
	_ =	sfence @p0  }
0xb2: {  	[sflag:s0] =	ssyncpa.u1 @p0 $0x1;
	s0 =	simm.s32 @p0 $0x2  }
0xb3: {  	[sflag:s0] =	ssyncpa.u1 @p0 $0x1  }
0xb4: {  	_ =	strace @p0 $0x90000047  }
0xb5: {  	[bflag:$0x2] =	sbarrier.arrive @p0 $0xFFFF  }
0xb6: {  	_ =	shalt @p0  }
.LBB2_7:
0xb7: {  	_ =	sfence.stream.spmem;
	s0 =	simm.s32 $0x5  }
0xb8: {  	s2 =	simm.s32 $0x80;
	s3 =	simm.s32 $0xC0;
	[sflag:s0] =	ssyncpa.u1 $0x0  }
0xb9: {  	[tilespmem:s3], [sflag:$0x5] =	stream.linear.gather [spmem:s2], $0x20, $0x38;
	[tilespmem:$0x240] =	vst v63  }
0xba: {  	s2 =	simm.s32 $0x0;
	s3 =	simm.s32 $0xE0  }
0xbb: {  	[tilespmem:s3], [sflag:$0x5] =	stream.linear.gather [spmem:s2], $0x20, $0x38;
	[tilespmem:$0x240] =	vst v63  }
.Ltmp5:
0xbc: {  	_ = 	snop;
	(pc) =	sbr.rel .LBB2_8-.Ltmp5, $4  }
0xbd: {  	_ =	swait.ge [sflag:s0], $0x40  }
0xbe: {  	[sflag:s0] =	ssyncset.done $0x0  }
0xbf: {  	s31 =	simm.s32 $0x6;
	[sflag:s0] =	ssyncadd.s32 $0xFFFFFFC0  }
0xc0: {  	s4 =	simm.s32 $0x0;
	[sflag:s31] =	ssyncpa.u1 $0x0  }
.LBB2_13:
0xc1: {  	p0 =	sgt.u32 s5, $0x187FF  }
0xc2: {  	s0 =	sshrl.u32 @!p0 s5, $0x3  }
0xc3: {  	s5 =	sand.u32 @!p0 $0x7, s5;
	s6 =	simm.s32 @!p0 $0xB0;
	s0 =	sadd.s32 @!p0 s1, s0  }
0xc4: {  	[tilespmem:s6], [sflag:$0x6] =	stream.linear.gather @!p0 [hbm4b:s0+s5], $0x1, $0x38;
	[tilespmem:$0x240] =	vst v63  }
0xc5: {  	s0 =	simm.s32 @!p0 $0x6  }
0xc6: {  	_ =	swait.ge @!p0 [sflag:s0], $0x1  }
0xc7: {  	[sflag:s0] =	ssyncset.done @!p0 $0x0  }
0xc8: {  	[sflag:s0] =	ssyncadd.s32 @!p0 $0xFFFFFFFF  }
0xc9: {  	v2 =	vmov @!p0 s4;
	v1 =	vld.msk @!p0 [tilespmem:$0xB0], $0x1;
	_ =	sdelay $0x3  }
0xca: {  	s0 =	simm.s32 @!p0 $0xE0  }
0xcb: {  	[tilespmem:v2+s0+$0x0], v1 =	vst.idx.ret.add.f32.msk @!p0 $0x1, v1  }
0xcc: {  	[tilespmem:s2+$0xC0] =	vst.msk $0x1, v0  }
0xcd: {  	v0 =	vld.msk [tilespmem:s4+$0xE0], $0x1;
	_ =	sdelay $0x4  }
0xce: {  	[tilespmem:s2+$0xE0] =	vst.msk $0x1, v0;
	s2 =	sadd.s32 $0x1, s2  }
.LBB2_15:
0xcf: {  	s4 =	sadd.s32 $0x1, s4  }
0xd0: {  	p0 =	sne.s32 s4, $0x20  }
.Ltmp6:
0xd1: {  	_ = 	snop;
	(pc) =	sbr.rel @!p0 .LBB2_16-.Ltmp6, $1  }
0xd2: {  	_ =	sdelay $0x3  }
.LBB2_8:
0xd3: {  	v0 =	vld.msk [tilespmem:s4+$0xC0], $0x1;
	_ =	sdelay $0x4  }
0xd4: {  	(v2sf) =	vpush v0, $0x0;
	_ =	sdelay $0xe  }
0xd5: {  	s5 =	spop (v2sf)  }
0xd6: {  	p0 =	seq.s32 s5, $0xFFFFFFFF  }
.Ltmp7:
0xd7: {  	_ = 	snop;
	(pc) =	sbr.rel @p0 .LBB2_15-.Ltmp7, $1  }
0xd8: {  	_ =	sdelay $0x3  }
0xd9: {  	p0 =	slt.s32 s2, $0x1  }
.Ltmp8:
0xda: {  	_ = 	snop;
	(pc) =	sbr.rel @p0 .LBB2_13-.Ltmp8, $1  }
0xdb: {  	_ =	sdelay $0x3  }
0xdc: {  	s6 =	simm.s32 $0xC0;
	p0 =	por $0x0, $0x0  }
0xdd: {  	v1 =	vld.msk @!p0 [tilespmem:s6+$0x0], $0x1;
	_ =	sdelay $0x4  }
0xde: {  	(v2sf) =	vpush @!p0 v1, $0x0;
	_ =	sdelay $0xd  }
0xdf: {  	p2 =	sne.s32 s2, $0x1  }
.Ltmp9:
0xe0: {  	s0 =	spop @!p0 (v2sf);
	(pc) =	sbr.rel @!p2 .LBB2_12-.Ltmp9, $4  }
0xe1: {  	p1 =	seq.s32 @!p0 s5, s0  }
0xe2: {  	s7 =	simm.s32 $0x0;
	p1 =	por !p1, p0  }
0xe3: {  	s0 =	simm.s32 $0xFFFFFFFF;
	s7 =	simm.s32 @p1 $0xFFFFFFFF  }
0xe4: {  	s8 =	simm.s32 $0x1;
	s7 =	smov.u32 @p0 s0  }
.LBB2_11:
0xe5: {  	s0 =	smov.u32 s7;
	p0 =	sne.s32 s7, $0xFFFFFFFF  }
0xe6: {  	s6 =	sadd.s32 $0x1, s6;
	s7 =	smov.u32 s8;
	s8 =	sadd.s32 $0x1, s8  }
0xe7: {  	p1 =	sne.s32 s2, s8;
	v1 =	vld.msk @!p0 [tilespmem:s6+$0x0], $0x1;
	_ =	sdelay $0x4  }
0xe8: {  	(v2sf) =	vpush @!p0 v1, $0x0;
	_ =	sdelay $0xe  }
.Ltmp10:
0xe9: {  	s9 =	spop @!p0 (v2sf);
	(pc) =	sbr.rel @p1 .LBB2_11-.Ltmp10, $4  }
0xea: {  	p2 =	seq.s32 @!p0 s5, s9  }
0xeb: {  	p2 =	por !p2, p0  }
0xec: {  	s7 =	simm.s32 @p2 $0xFFFFFFFF  }
0xed: {  	s7 =	smov.u32 @p0 s0  }
.LBB2_12:
0xee: {  	p0 =	sne.s32 s7, $0xFFFFFFFF  }
.Ltmp11:
0xef: {  	_ = 	snop;
	(pc) =	sbr.rel @!p0 .LBB2_13-.Ltmp11, $1  }
0xf0: {  	_ =	sdelay $0x3  }
0xf1: {  	v0 =	vld.msk [tilespmem:s4+$0xE0], $0x1;
	v1 =	vmov s7  }
.Ltmp12:
0xf2: {  	_ = 	snop;
	(pc) =	sbr.rel .LBB2_15-.Ltmp12, $2  }
0xf3: {  	_ =	sdelay $0x2  }
0xf4: {  	[tilespmem:v1+s3+$0x0], v0 =	vst.idx.ret.add.f32.msk $0x1, v0  }
.LBB2_16:
0xf5: {  	p0 =	slt.s32 s2, $0x1  }
.Ltmp13:
0xf6: {  	_ = 	snop;
	(pc) =	sbr.rel @p0 .LBB2_20-.Ltmp13, $3  }
0xf7: {  	_ =	sdelay $0x1  }
0xf8: {  	s0 =	simm.s32 $0x6  }
0xf9: {  	s3 =	simm.s32 $0x0;
	[sflag:s0] =	ssyncpa.u1 $0x1  }
0xfa: {  	s0 =	simm.s32 $0xC0  }
0xfb: {  	v0 =	vld.msk [tilespmem:s0+$0x0], $0x1;
	_ =	sdelay $0x4  }
0xfc: {  	(v2sf) =	vpush v0, $0x0;
	_ =	sdelay $0xd  }
0xfd: {  	s2 =	sadd.s32 $0xFFFFFFFF, s2  }
0xfe: {  	p1 =	sne.s32 s2, $0x0;
	s0 =	spop (v2sf)  }
.Ltmp14:
0xff: {  	p0 =	sgt.u32 s0, $0x187FF;
	(pc) =	sbr.rel @!p1 .LBB2_19-.Ltmp14, $4  }
0x100: {  	s4 =	simm.s32 $0xE0;
	s5 =	sshrl.u32 @!p0 s0, $0x3  }
0x101: {  	s6 =	simm.s32 $0x0;
	s0 =	sand.u32 @!p0 $0x7, s0;
	s5 =	sadd.s32 @!p0 s1, s5  }
0x102: {  	[hbm4b:s5+s0] =	stream.linear.scatter @!p0 [tilespmem:s4], [sflag:$0x5], $0x1, $0x38;
	[tilespmem:$0x240] =	vst v63  }
0x103: {  	s6 =	simm.s32 @!p0 $0x4;
	s5 =	simm.s32 $0xC1  }
.LBB2_18:
0x104: {  	v0 =	vld.msk [tilespmem:s5+$0x0], $0x1;
	s2 =	sadd.s32 $0xFFFFFFFF, s2;
	s3 =	sadd.s32 s3, s6  }
0x105: {  	p0 =	sne.s32 s2, $0x0;
	_ =	sdelay $0x3  }
0x106: {  	(v2sf) =	vpush v0, $0x0;
	_ =	sdelay $0xe  }
.Ltmp15:
0x107: {  	s0 =	spop (v2sf);
	(pc) =	sbr.rel @p0 .LBB2_18-.Ltmp15, $4  }
0x108: {  	s6 =	simm.s32 $0x0;
	p1 =	sgt.u32 s0, $0x187FF  }
0x109: {  	s4 =	sadd.s32 $0x1, s4;
	s6 =	simm.s32 @!p1 $0x4;
	s7 =	sshrl.u32 @!p1 s0, $0x3  }
0x10a: {  	s5 =	sadd.s32 $0x1, s5;
	s0 =	sand.u32 @!p1 $0x7, s0;
	s7 =	sadd.s32 @!p1 s1, s7  }
0x10b: {  	[hbm4b:s7+s0] =	stream.linear.scatter @!p1 [tilespmem:s4], [sflag:$0x5], $0x1, $0x38;
	[tilespmem:$0x240] =	vst v63  }
.LBB2_19:
0x10c: {  	s0 =	sadd.s32 s3, s6  }
0x10d: {  	s3 =	sshrl.u32 s0, $0x2  }
.LBB2_20:
0x10e: {  	s0 =	simm.s32 $0x5  }
0x10f: {  	_ =	swait.ge [sflag:s0], s3  }
0x110: {  	s1 =	ssub.s32 $0x0, s3;
	[sflag:s0] =	ssyncset.done $0x0  }
0x111: {  	[sflag:s0] =	ssyncadd.s32 s1  }
0x112: {  	[sflag:s0] =	ssyncpa.u1 $0x1  }
0x113: {  	s29 =	simm.s32 $0x1;
	_ =	sfence  }
0x114: {  	s30 =	simm.s32 $0x2;
	[sflag:s29] =	ssyncpa.u1 $0x1  }
0x115: {  	[sflag:s30] =	ssyncpa.u1 $0x1  }
0x116: {  	_ =	strace $0x90000047  }
0x117: {  	[bflag:$0x2] =	sbarrier.arrive $0xFFFF  }
0x118: {  	s31 =	rddreg [dreg:$0x2]  }
0x119: {  	s0 =	sadd.s32 $0x100000, s31  }
0x11a: {  	[sflag:s0] =	ssyncadd.tile.s32 $0x1;
	_ =	shalt  }
.Lfunc_end2:
_tile_overlayer_lowered:
.L_overlay_start_2:
0x11b: {  	(tag) =	ssettag $0x2  }
0x11c: {  	s0 =	rddreg [dreg:$0x0];
	s2 =	stileid.u32  }
0x11d: {  	s1 =	rddreg [dreg:$0x1];
	p0 =	sne.s32 s2, $0x0  }
0x11e: {  	s3 =	rddreg [dreg:$0x2];
	[bflag:$0x3] =	sbarrier.arrive $0xFFFF;
	s2 =	simm.s32 @!p0 $0x1C01  }
0x11f: {  	[timem:s3], [sflag:s2] =	dma.local @!p0 [hbm:s0], s1  }
0x120: {  	s0 =	simm.s32 @!p0 $0x1  }
0x121: {  	_ =	swait.ge @!p0 [sflag:s0], s1  }
0x122: {  	s1 =	ssub.s32 @!p0 $0x0, s1;
	[sflag:s0] =	ssyncset.done @!p0 $0x0  }
0x123: {  	[sflag:s0] =	ssyncadd.s32 @!p0 s1  }
0x124: {  	[bflag:$0x3] =	sbarrier.arrive $0xFFFF  }
0x125: {  	_ =	shalt  }

</sc_bundles>
